<compile_context>
chip_gen: v7x
topology: tpu7x:2x2x1
jax: 0.10.2.dev20260603
libtpu: 0.0.44.dev20260713+nightly
codegen_flags: <defaults>
</compile_context>

<pallas_src>
import functools

import jax
import jax.numpy as jnp
from jax import lax
from jax.experimental import pallas as pl
from jax.experimental.pallas import tpu as pltpu
from jax.experimental.pallas import tpu_sc as plsc

N, V, H, W = 4, 50000, 512, 512
NV = N * V
F = 4 * 100000
PX = N * H * W

NC, NS, L = 2, 16, 16
NW = NC * NS

FW = NV * 3
WPT = 37504
WCH = 9376
FPAD = 409600
VIS_DUMMY = FPAD
PC = 1024
PPT = PX // NS
PB = 1024
PXT = PX // NW

_GRID_SCALE = 2.0 / 511.0

_mesh = plsc.VectorSubcoreMesh(core_axis_name="c", subcore_axis_name="s")
_params = pltpu.CompilerParams(
    needs_layout_passes=False, use_tc_tiling_on_sc=False)


@functools.partial(
    pl.kernel,
    out_type=jax.ShapeDtypeStruct((PX * 4,), jnp.float32),
    mesh=_mesh,
    compiler_params=_params,
    scratch_types=[
        pltpu.VMEM((WCH,), jnp.float32),
        pltpu.VMEM((WCH,), jnp.float32),
        pltpu.VMEM((PC,), jnp.float32),
        pltpu.VMEM((PB,), jnp.int32),
        pltpu.VMEM((PB,), jnp.int32),
        pltpu.VMEM((PB * 3,), jnp.float32),
        pltpu.VMEM((PB,), jnp.int32),
        pltpu.VMEM((PB,), jnp.int32),
        pltpu.VMEM((PB,), jnp.int32),
        pltpu.VMEM((PB,), jnp.int32),
        pltpu.VMEM((PB * 9,), jnp.int32),
        pltpu.VMEM((PB * 9,), jnp.float32),
        pltpu.VMEM((PB,), jnp.float32),
        pltpu.VMEM((PB * 4,), jnp.float32),
        pltpu.VMEM_SHARED((600016,), jnp.float32),
        pltpu.VMEM_SHARED((FPAD + 8,), jnp.float32),
        pltpu.SemaphoreType.DMA,
    ],
)
def _render(vs_hbm, vt_hbm, facesp_hbm, p2fs_hbm, p2ft_hbm, bary_hbm,
            zeros_hbm, out_hbm,
            vsb, vtb, ones1v, p2fb, idxb, baryb, iw0, iw1, w0b, w1b,
            fidx, fval, visv, outbf, flow_sh, vis_sh, sem):
    sid = lax.axis_index("s")
    wid = lax.axis_index("c") * NS + sid
    iota = lax.iota(jnp.int32, L)

    zrows = (FPAD + 8) // NS
    pltpu.sync_copy(zeros_hbm, vis_sh.at[pl.ds(sid * 25600, 25600)])

    o0 = sid * 37500 - (sid % 2) * 4

    def fl_chunk(c, _):
        o = pl.multiple_of(o0 + c * WCH, 8)
        pltpu.sync_copy(vs_hbm.at[pl.ds(o, WCH)], vsb)
        pltpu.sync_copy(vt_hbm.at[pl.ds(o, WCH)], vtb)

        def grp(g, _):
            b = g * L
            vsb[pl.ds(b, L)] = vtb[pl.ds(b, L)] - vsb[pl.ds(b, L)]
            return 0

        lax.fori_loop(0, WCH // L, grp, 0)
        pltpu.sync_copy(vsb, flow_sh.at[pl.ds(o, WCH)])
        return 0

    lax.fori_loop(0, WPT // WCH, fl_chunk, 0)

    onev = jnp.full((L,), 1.0, jnp.float32)

    def of(g, _):
        ones1v[pl.ds(g * L, L)] = onev
        return 0

    lax.fori_loop(0, PC // L, of, 0)
    plsc.subcore_barrier()

    def sc_chunk(c, _):
        off = sid * PPT + c * PC
        pltpu.sync_copy(p2fs_hbm.at[pl.ds(off, PC)], p2fb)

        def grp(g, _):
            v = p2fb[pl.ds(g * L, L)]
            idxb[pl.ds(g * L, L)] = jnp.where(v < 0, VIS_DUMMY, v)
            return 0

        lax.fori_loop(0, PC // L, grp, 0)
        pltpu.sync_copy(ones1v, vis_sh.at[idxb], add=True)
        return 0

    lax.fori_loop(0, PPT // PC, sc_chunk, 0)
    plsc.subcore_barrier()

    def px_chunk(c, _):
        p0 = wid * PXT + c * PB
        pltpu.sync_copy(p2ft_hbm.at[pl.ds(p0, PB)], p2fb)
        pltpu.sync_copy(bary_hbm.at[pl.ds(p0 * 3, PB * 3)], baryb)

        def ig(g, _):
            b = g * L
            v = jnp.maximum(p2fb[pl.ds(b, L)], 0)
            idxb[pl.ds(b, L)] = v
            iw0[pl.ds(b, L)] = v * 2
            iw1[pl.ds(b, L)] = v * 2 + 1
            return 0

        lax.fori_loop(0, PB // L, ig, 0)
        c0 = pltpu.async_copy(facesp_hbm.at[iw0], w0b, sem)
        c1 = pltpu.async_copy(facesp_hbm.at[iw1], w1b, sem)
        c0.wait()
        c1.wait()

        def up(g, _):
            b = g * L
            w0 = w0b[pl.ds(b, L)]
            w1 = w1b[pl.ds(b, L)]
            v0 = w0 & 0x3FFFF
            v1 = (lax.shift_right_logical(w0, 18) & 0x3FFF) | (
                (w1 & 0xF) << 14)
            v2 = lax.shift_right_logical(w1, 4)
            for j, vv in enumerate((v0, v1, v2)):
                e = vv * 3
                fidx[pl.ds(j * 3 * PB + b, L)] = e
                fidx[pl.ds((j * 3 + 1) * PB + b, L)] = e + 1
                fidx[pl.ds((j * 3 + 2) * PB + b, L)] = e + 2
            return 0

        lax.fori_loop(0, PB // L, up, 0)

        cps = [
            pltpu.async_copy(
                flow_sh.at[fidx.at[pl.ds(k * PB, PB)]],
                fval.at[pl.ds(k * PB, PB)], sem)
            for k in range(9)
        ]
        cv = pltpu.async_copy(vis_sh.at[idxb], visv, sem)
        for cp in cps:
            cp.wait()
        cv.wait()

        def grp(g, _):
            b = g * L
            r = b + iota
            b0 = plsc.load_gather(baryb, [r * 3])
            b1 = plsc.load_gather(baryb, [r * 3 + 1])
            b2 = plsc.load_gather(baryb, [r * 3 + 2])
            ox = (b0 * fval[pl.ds(0 * PB + b, L)]
                  + b1 * fval[pl.ds(3 * PB + b, L)]
                  + b2 * fval[pl.ds(6 * PB + b, L)])
            oy = (b0 * fval[pl.ds(1 * PB + b, L)]
                  + b1 * fval[pl.ds(4 * PB + b, L)]
                  + b2 * fval[pl.ds(7 * PB + b, L)])
            oz = (b0 * fval[pl.ds(2 * PB + b, L)]
                  + b1 * fval[pl.ds(5 * PB + b, L)]
                  + b2 * fval[pl.ds(8 * PB + b, L)])
            vcnt = visv[pl.ds(b, L)]
            pm = p2fb[pl.ds(b, L)] >= 0
            q = p0 + r
            gx = (q & 511).astype(jnp.float32) * _GRID_SCALE - 1.0
            gy = ((q >> 9) & 511).astype(jnp.float32) * _GRID_SCALE - 1.0
            zero = jnp.zeros((L,), jnp.float32)
            one = jnp.full((L,), 1.0, jnp.float32)
            ox = jnp.where(pm, ox, zero) + gx
            oy = jnp.where(pm, oy, zero) + gy
            oz = jnp.where(pm, oz, zero)
            ov = jnp.where(pm & (vcnt > 0.5), one, zero)
            r4 = r * 4
            for cc, vec in ((0, ox), (1, oy), (2, oz), (3, ov)):
                plsc.store_scatter(outbf, [r4 + cc], vec)
            return 0

        lax.fori_loop(0, PB // L, grp, 0)
        pltpu.sync_copy(outbf, out_hbm.at[pl.ds(p0 * 4, PB * 4)])
        return 0

    lax.fori_loop(0, PXT // PB, px_chunk, 0)


def kernel(verts_source_ndc, verts_target_ndc, faces, pix_to_face_source,
           pix_to_face_target, bary_coords):
    vs = verts_source_ndc.reshape(-1)
    vt = verts_target_ndc.reshape(-1)
    v0 = faces[:, 0]
    v1 = faces[:, 1]
    v2 = faces[:, 2]
    w0 = v0 | ((v1 & 0x3FFF) << 18)
    w1 = jax.lax.shift_right_logical(v1, 14) | (v2 << 4)
    facesp = jnp.stack([w0, w1], axis=1).reshape(-1)
    p2fs = pix_to_face_source.reshape(-1)
    p2ft = pix_to_face_target.reshape(-1)
    bary = bary_coords.reshape(-1)
    zeros = jnp.zeros((25600,), jnp.float32)

    out = _render(vs, vt, facesp, p2fs, p2ft, bary, zeros)
    return out.reshape(N, H, W, 4)

# --- scband reference (transcript-rebuilt; emitter-appended) ---
"""Pipeline reference for scband-optical-flow-renderer-3418793968177 (READ-ONLY COPY).

The authoritative reference and input builder live on the scoring server;
editing this copy changes nothing except your own understanding.
"""

import jax, jax.numpy as jnp
import numpy as np

N, V, Fm, H, W, K = 4, 50000, 100000, 512, 512, 1
F_TOTAL = N * Fm


def gen_mesh_grid(Hh, Ww, Nn=1):
    h_grid = jnp.tile(jnp.linspace(-1.0, 1.0, Hh).reshape(-1, 1), (1, Ww))
    v_grid = jnp.tile(jnp.linspace(-1.0, 1.0, Ww).reshape(1, -1), (Hh, 1))
    mesh_grid = jnp.stack([v_grid, h_grid], axis=2)
    mesh_grid = jnp.tile(mesh_grid[None], (Nn, 1, 1, 1))
    mesh_grid = jnp.concatenate([mesh_grid, jnp.zeros((Nn, Hh, Ww, 1), dtype=mesh_grid.dtype)], -1)
    return mesh_grid


def setup_inputs(seed: int = 0):
    key = jax.random.key(seed)
    ks = jax.random.split(key, 8)
    verts_source_ndc = jax.random.normal(ks[0], (N, V, 3), dtype=jnp.float32)
    verts_target_ndc = verts_source_ndc + 0.01 * jax.random.normal(ks[1], (N, V, 3), dtype=jnp.float32)
    faces = jax.random.randint(ks[2], (F_TOTAL, 3), 0, N * V, dtype=jnp.int32)
    # pix_to_face: -1 marks background pixels (~25%), valid ids index packed faces
    p2f_s = jax.random.randint(ks[3], (N, H, W, K), 0, F_TOTAL, dtype=jnp.int32)
    p2f_s = jnp.where(jax.random.uniform(ks[4], (N, H, W, K)) < 0.75, p2f_s, -1)
    p2f_t = jax.random.randint(ks[5], (N, H, W, K), 0, F_TOTAL, dtype=jnp.int32)
    p2f_t = jnp.where(jax.random.uniform(ks[6], (N, H, W, K)) < 0.75, p2f_t, -1)
    bary = jax.random.uniform(ks[7], (N, H, W, K, 3), dtype=jnp.float32)
    bary = bary / jnp.sum(bary, axis=-1, keepdims=True)
    return {
        'verts_source_ndc': verts_source_ndc,
        'verts_target_ndc': verts_target_ndc,
        'faces': faces,
        'pix_to_face_source': p2f_s,
        'pix_to_face_target': p2f_t,
        'bary_coords': bary,
    }


def interpolate_face_attributes(pix_to_face, barycentric_coords, face_attributes):
    # face_attributes: [F_total, 3, 3]; pix_to_face: [N,H,W,K]; bary: [N,H,W,K,3]
    mask = pix_to_face >= 0
    idx = jnp.where(mask, pix_to_face, 0)
    gathered = face_attributes[idx.reshape(-1)].reshape(idx.shape + (3, 3))  # [N,H,W,K,3,3]
    pixel_vals = jnp.sum(barycentric_coords[..., None] * gathered, axis=-2)  # [N,H,W,K,3]
    pixel_vals = pixel_vals * mask[..., None].astype(pixel_vals.dtype)
    return pixel_vals


def reference(verts_source_ndc, verts_target_ndc, faces, pix_to_face_source, pix_to_face_target, bary_coords):
    # verts_scene_flow (padded -> packed)
    verts_scene_flow = verts_target_ndc - verts_source_ndc           # [N, V, 3]
    flow_packed = verts_scene_flow.reshape(-1, 3)                    # [N*V, 3]
    faces_flow = flow_packed[faces]                                  # [F_total, 3, 3] gather
    # shader: barycentric interpolation of per-face flow
    pixel_flow = interpolate_face_attributes(pix_to_face_target, bary_coords, faces_flow)  # [N,H,W,K,3]
    mesh_grid = gen_mesh_grid(H, W, N)                               # [N,H,W,3]
    pixel_flow = pixel_flow[..., 0, :] + mesh_grid                   # squeeze K dim, add grid
    # visibility: scatter-overwrite ones at visible face ids (shift by 1 so -1 lands in a dummy slot)
    vis_s = jnp.zeros((F_TOTAL + 1,), jnp.int32).at[pix_to_face_source.reshape(-1) + 1].set(1)[1:]
    vis_t = jnp.zeros((F_TOTAL + 1,), jnp.int32).at[pix_to_face_target.reshape(-1) + 1].set(1)[1:]
    face_visibility_packed = vis_s * vis_t                           # [F_total]
    mask_target = (pix_to_face_target >= 0).astype(jnp.int32)        # [N,H,W,K]
    safe_idx = jnp.where(pix_to_face_target >= 0, pix_to_face_target, 0)
    visibility_mask = face_visibility_packed[safe_idx.reshape(-1)].reshape(pix_to_face_target.shape) * mask_target
    out = jnp.concatenate([pixel_flow, visibility_mask.astype(jnp.float32)], axis=-1)  # [N,H,W,4]
    return out

if __name__ == "__main__":
    import jax
    _d = setup_inputs()
    print(jax.jit(kernel)(*tuple(_d.values())))

</pallas_src>

<mosaic_0001>
#map = affine_map<(d0, d1) -> (0)>
module attributes {stable_mosaic.version = 14 : i64} {
  func.func @_render(%arg0: i32, %arg1: i32, %arg2: memref<600000xf32, #tpu.memory_space<hbm>>, %arg3: memref<600000xf32, #tpu.memory_space<hbm>>, %arg4: memref<800000xi32, #tpu.memory_space<hbm>>, %arg5: memref<1048576xi32, #tpu.memory_space<hbm>>, %arg6: memref<1048576xi32, #tpu.memory_space<hbm>>, %arg7: memref<3145728xf32, #tpu.memory_space<hbm>>, %arg8: memref<25600xf32, #tpu.memory_space<hbm>>, %arg9: memref<4194304xf32, #tpu.memory_space<hbm>>, %arg10: memref<9376xf32, #tpu.memory_space<vmem>>, %arg11: memref<9376xf32, #tpu.memory_space<vmem>>, %arg12: memref<1024xf32, #tpu.memory_space<vmem>>, %arg13: memref<1024xi32, #tpu.memory_space<vmem>>, %arg14: memref<1024xi32, #tpu.memory_space<vmem>>, %arg15: memref<3072xf32, #tpu.memory_space<vmem>>, %arg16: memref<1024xi32, #tpu.memory_space<vmem>>, %arg17: memref<1024xi32, #tpu.memory_space<vmem>>, %arg18: memref<1024xi32, #tpu.memory_space<vmem>>, %arg19: memref<1024xi32, #tpu.memory_space<vmem>>, %arg20: memref<9216xi32, #tpu.memory_space<vmem>>, %arg21: memref<9216xf32, #tpu.memory_space<vmem>>, %arg22: memref<1024xf32, #tpu.memory_space<vmem>>, %arg23: memref<4096xf32, #tpu.memory_space<vmem>>, %arg24: memref<600016xf32, #tpu.memory_space<vmem_shared>>, %arg25: memref<409608xf32, #tpu.memory_space<vmem_shared>>, %arg26: memref<!tpu.dma_semaphore, #tpu.memory_space<semaphore_mem>>) attributes {dimension_semantics = [#tpu.dimension_semantics<core_parallel>, #tpu.dimension_semantics<subcore_parallel>], iteration_bounds = array<i64: 2, 16>, scalar_prefetch = 0 : i64, scratch_operands = 17 : i64, tpu.core_type = #tpu.core_type<sc_vector_subcore>, window_params = [{transform_indices = #map}, {transform_indices = #map}, {transform_indices = #map}, {transform_indices = #map}, {transform_indices = #map}, {transform_indices = #map}, {transform_indices = #map}, {transform_indices = #map}]} {
    %mul3A = arith.constant 16 : i32
    %mul3A_0 = arith.muli %arg0, %mul3A : i32
    %add3A = arith.addi %mul3A_0, %arg1 : i32
    %iota3A = tpu.iota {dimensions = array<i32: 0>} : vector<16xi32>
    %mul3A_1 = arith.constant 25600 : i32
    %mul3A_2 = arith.muli %arg1, %mul3A_1 : i32
    "tpu.region"() ({
      %run_scoped3A = tpu.sem_alloc : memref<!tpu.dma_semaphore, #tpu.memory_space<semaphore_mem>>
      %dma_start3A = tpu.memref_slice %arg25[%mul3A_2] : memref<409608xf32, #tpu.memory_space<vmem_shared>> -> memref<25600xf32, #tpu.memory_space<vmem_shared>>
      tpu.enqueue_dma source(%arg8 : memref<25600xf32, #tpu.memory_space<hbm>>) target(%dma_start3A : memref<25600xf32, #tpu.memory_space<vmem_shared>>) target_semaphore(%run_scoped3A : memref<!tpu.dma_semaphore, #tpu.memory_space<semaphore_mem>>)
      %dma_wait3A = tpu.memref_slice %arg25[%mul3A_2] : memref<409608xf32, #tpu.memory_space<vmem_shared>> -> memref<25600xf32, #tpu.memory_space<vmem_shared>>
      tpu.wait_dma2 semaphore(%run_scoped3A : memref<!tpu.dma_semaphore, #tpu.memory_space<semaphore_mem>>) src(%arg8 : memref<25600xf32, #tpu.memory_space<hbm>>) dst(%dma_wait3A : memref<25600xf32, #tpu.memory_space<vmem_shared>>)
      tpu.yield
    }) : () -> ()
    %mul3A_3 = arith.constant 37500 : i32
    %mul3A_4 = arith.muli %arg1, %mul3A_3 : i32
    %jit3A = arith.constant 2 : i32
    %eq3A = arith.constant 0 : i32
    %eq3A_5 = arith.cmpi eq, %jit3A, %eq3A : i32
    %jit3A_6 = arith.constant 1 : i32
    %select_n3A = arith.select %eq3A_5, %jit3A_6, %jit3A : i32
    %rem3A = arith.remsi %arg1, %select_n3A : i32
    %ne3A = arith.constant 0 : i32
    %ne3A_7 = arith.cmpi ne, %rem3A, %ne3A : i32
    %lt3A = arith.constant 0 : i32
    %lt3A_8 = arith.cmpi slt, %rem3A, %lt3A : i32
    %lt3A_9 = arith.constant 0 : i32
    %lt3A_10 = arith.cmpi slt, %select_n3A, %lt3A_9 : i32
    %ne3A_11 = arith.xori %lt3A_8, %lt3A_10 : i1
    %and3A = arith.andi %ne3A_11, %ne3A_7 : i1
    %add3A_12 = arith.addi %rem3A, %select_n3A : i32
    %select_n3A_13 = arith.select %and3A, %add3A_12, %rem3A : i32
    %mul3A_14 = arith.constant 4 : i32
    %mul3A_15 = arith.muli %select_n3A_13, %mul3A_14 : i32
    %sub3A = arith.subi %mul3A_4, %mul3A_15 : i32
    %scan3A = arith.constant 0 : i32
    %scan3A_16 = arith.constant 0 : i32
    %scan3A_17 = arith.constant 4 : i32
    %scan3A_18 = arith.addi %scan3A_16, %scan3A_17 : i32
    %scan3A_19 = arith.constant 1 : i32
    %scan3A_20 = scf.for %scan3A_45 = %scan3A_16 to %scan3A_18 step %scan3A_19 iter_args(%scan3A_46 = %scan3A) -> (i32)  : i32 {
      %mul3A_47 = arith.constant 9376 : i32
      %mul3A_48 = arith.muli %scan3A_45, %mul3A_47 : i32
      %add3A_49 = arith.addi %sub3A, %mul3A_48 : i32
      %multiple_of3A = tpu.assume_multiple %add3A_49, 8 : i32
      "tpu.region"() ({
        %run_scoped3A = tpu.sem_alloc : memref<!tpu.dma_semaphore, #tpu.memory_space<semaphore_mem>>
        %dma_start3A = tpu.memref_slice %arg2[%multiple_of3A] : memref<600000xf32, #tpu.memory_space<hbm>> -> memref<9376xf32, #tpu.memory_space<hbm>>
        %dma_start3A_58 = tpu.memref_slice %arg2[%multiple_of3A] : memref<600000xf32, #tpu.memory_space<hbm>> -> memref<9376xf32, #tpu.memory_space<hbm>>
        tpu.enqueue_dma source(%dma_start3A_58 : memref<9376xf32, #tpu.memory_space<hbm>>) target(%arg10 : memref<9376xf32, #tpu.memory_space<vmem>>) target_semaphore(%run_scoped3A : memref<!tpu.dma_semaphore, #tpu.memory_space<semaphore_mem>>)
        %dma_wait3A = tpu.memref_slice %arg2[%multiple_of3A] : memref<600000xf32, #tpu.memory_space<hbm>> -> memref<9376xf32, #tpu.memory_space<hbm>>
        %dma_wait3A_59 = tpu.memref_slice %arg2[%multiple_of3A] : memref<600000xf32, #tpu.memory_space<hbm>> -> memref<9376xf32, #tpu.memory_space<hbm>>
        tpu.wait_dma2 semaphore(%run_scoped3A : memref<!tpu.dma_semaphore, #tpu.memory_space<semaphore_mem>>) src(%dma_wait3A_59 : memref<9376xf32, #tpu.memory_space<hbm>>) dst(%arg10 : memref<9376xf32, #tpu.memory_space<vmem>>)
        tpu.yield
      }) : () -> ()
      "tpu.region"() ({
        %run_scoped3A = tpu.sem_alloc : memref<!tpu.dma_semaphore, #tpu.memory_space<semaphore_mem>>
        %dma_start3A = tpu.memref_slice %arg3[%multiple_of3A] : memref<600000xf32, #tpu.memory_space<hbm>> -> memref<9376xf32, #tpu.memory_space<hbm>>
        %dma_start3A_58 = tpu.memref_slice %arg3[%multiple_of3A] : memref<600000xf32, #tpu.memory_space<hbm>> -> memref<9376xf32, #tpu.memory_space<hbm>>
        tpu.enqueue_dma source(%dma_start3A_58 : memref<9376xf32, #tpu.memory_space<hbm>>) target(%arg11 : memref<9376xf32, #tpu.memory_space<vmem>>) target_semaphore(%run_scoped3A : memref<!tpu.dma_semaphore, #tpu.memory_space<semaphore_mem>>)
        %dma_wait3A = tpu.memref_slice %arg3[%multiple_of3A] : memref<600000xf32, #tpu.memory_space<hbm>> -> memref<9376xf32, #tpu.memory_space<hbm>>
        %dma_wait3A_59 = tpu.memref_slice %arg3[%multiple_of3A] : memref<600000xf32, #tpu.memory_space<hbm>> -> memref<9376xf32, #tpu.memory_space<hbm>>
        tpu.wait_dma2 semaphore(%run_scoped3A : memref<!tpu.dma_semaphore, #tpu.memory_space<semaphore_mem>>) src(%dma_wait3A_59 : memref<9376xf32, #tpu.memory_space<hbm>>) dst(%arg11 : memref<9376xf32, #tpu.memory_space<vmem>>)
        tpu.yield
      }) : () -> ()
      %scan3A_50 = arith.constant 0 : i32
      %scan3A_51 = arith.constant 0 : i32
      %scan3A_52 = arith.constant 586 : i32
      %scan3A_53 = arith.addi %scan3A_51, %scan3A_52 : i32
      %scan3A_54 = arith.constant 1 : i32
      %scan3A_55 = scf.for %scan3A_58 = %scan3A_51 to %scan3A_53 step %scan3A_54 iter_args(%scan3A_59 = %scan3A_50) -> (i32)  : i32 {
        %mul3A_60 = arith.constant 16 : i32
        %mul3A_61 = arith.muli %scan3A_58, %mul3A_60 : i32
        %get3A = arith.index_cast %mul3A_61 : i32 to index
        %get3A_62 = tpu.vector_load %arg11[%get3A] {strides = array<i32>} : memref<9376xf32, #tpu.memory_space<vmem>>, vector<16xf32>,
        %get3A_63 = arith.index_cast %mul3A_61 : i32 to index
        %get3A_64 = tpu.vector_load %arg10[%get3A_63] {strides = array<i32>} : memref<9376xf32, #tpu.memory_space<vmem>>, vector<16xf32>,
        %sub3A_65 = arith.subf %get3A_62, %get3A_64 : vector<16xf32>
        %swap3A = arith.index_cast %mul3A_61 : i32 to index
        %swap3A_66 = tpu.vector_load %arg10[%swap3A] {strides = array<i32>} : memref<9376xf32, #tpu.memory_space<vmem>>, vector<16xf32>,
        tpu.vector_store %arg10[%swap3A], %sub3A_65 {strides = array<i32>} : memref<9376xf32, #tpu.memory_space<vmem>>, vector<16xf32>,
        %scan3A_67 = arith.constant 0 : i32
        scf.yield %scan3A_67 : i32
      }
      %scan3A_56 = arith.constant 586 : i32
      "tpu.region"() ({
        %run_scoped3A = tpu.sem_alloc : memref<!tpu.dma_semaphore, #tpu.memory_space<semaphore_mem>>
        %dma_start3A = tpu.memref_slice %arg24[%multiple_of3A] : memref<600016xf32, #tpu.memory_space<vmem_shared>> -> memref<9376xf32, #tpu.memory_space<vmem_shared>>
        %dma_start3A_58 = tpu.memref_slice %arg24[%multiple_of3A] : memref<600016xf32, #tpu.memory_space<vmem_shared>> -> memref<9376xf32, #tpu.memory_space<vmem_shared>>
        tpu.enqueue_dma source(%arg10 : memref<9376xf32, #tpu.memory_space<vmem>>) target(%dma_start3A_58 : memref<9376xf32, #tpu.memory_space<vmem_shared>>) target_semaphore(%run_scoped3A : memref<!tpu.dma_semaphore, #tpu.memory_space<semaphore_mem>>)
        %dma_wait3A = tpu.memref_slice %arg24[%multiple_of3A] : memref<600016xf32, #tpu.memory_space<vmem_shared>> -> memref<9376xf32, #tpu.memory_space<vmem_shared>>
        %dma_wait3A_59 = tpu.memref_slice %arg24[%multiple_of3A] : memref<600016xf32, #tpu.memory_space<vmem_shared>> -> memref<9376xf32, #tpu.memory_space<vmem_shared>>
        tpu.wait_dma2 semaphore(%run_scoped3A : memref<!tpu.dma_semaphore, #tpu.memory_space<semaphore_mem>>) src(%arg10 : memref<9376xf32, #tpu.memory_space<vmem>>) dst(%dma_wait3A_59 : memref<9376xf32, #tpu.memory_space<vmem_shared>>)
        tpu.yield
      }) : () -> ()
      %scan3A_57 = arith.constant 0 : i32
      scf.yield %scan3A_57 : i32
    }
    %scan3A_21 = arith.constant 4 : i32
    %broadcast_in_dim3A = arith.constant 1.000000e+00 : f32
    %broadcast_in_dim3A_22 = vector.broadcast %broadcast_in_dim3A : f32 to vector<16xf32>
    %scan3A_23 = arith.constant 0 : i32
    %scan3A_24 = arith.constant 0 : i32
    %scan3A_25 = arith.constant 64 : i32
    %scan3A_26 = arith.addi %scan3A_24, %scan3A_25 : i32
    %scan3A_27 = arith.constant 1 : i32
    %scan3A_28 = scf.for %scan3A_45 = %scan3A_24 to %scan3A_26 step %scan3A_27 iter_args(%scan3A_46 = %scan3A_23) -> (i32)  : i32 {
      %mul3A_47 = arith.constant 16 : i32
      %mul3A_48 = arith.muli %scan3A_45, %mul3A_47 : i32
      %swap3A = arith.index_cast %mul3A_48 : i32 to index
      %swap3A_49 = tpu.vector_load %arg12[%swap3A] {strides = array<i32>} : memref<1024xf32, #tpu.memory_space<vmem>>, vector<16xf32>,
      tpu.vector_store %arg12[%swap3A], %broadcast_in_dim3A_22 {strides = array<i32>} : memref<1024xf32, #tpu.memory_space<vmem>>, vector<16xf32>,
      %scan3A_50 = arith.constant 0 : i32
      scf.yield %scan3A_50 : i32
    }
    %scan3A_29 = arith.constant 64 : i32
    %barrier3A = arith.constant 0 : index
    tpu.barrier barrier_id(%barrier3A)
    %scan3A_30 = arith.constant 0 : i32
    %scan3A_31 = arith.constant 0 : i32
    %scan3A_32 = arith.constant 64 : i32
    %scan3A_33 = arith.addi %scan3A_31, %scan3A_32 : i32
    %scan3A_34 = arith.constant 1 : i32
    %scan3A_35 = scf.for %scan3A_45 = %scan3A_31 to %scan3A_33 step %scan3A_34 iter_args(%scan3A_46 = %scan3A_30) -> (i32)  : i32 {
      %mul3A_47 = arith.constant 65536 : i32
      %mul3A_48 = arith.muli %arg1, %mul3A_47 : i32
      %mul3A_49 = arith.constant 1024 : i32
      %mul3A_50 = arith.muli %scan3A_45, %mul3A_49 : i32
      %add3A_51 = arith.addi %mul3A_48, %mul3A_50 : i32
      "tpu.region"() ({
        %run_scoped3A = tpu.sem_alloc : memref<!tpu.dma_semaphore, #tpu.memory_space<semaphore_mem>>
        %dma_start3A = tpu.memref_slice %arg5[%add3A_51] : memref<1048576xi32, #tpu.memory_space<hbm>> -> memref<1024xi32, #tpu.memory_space<hbm>>
        %dma_start3A_60 = tpu.memref_slice %arg5[%add3A_51] : memref<1048576xi32, #tpu.memory_space<hbm>> -> memref<1024xi32, #tpu.memory_space<hbm>>
        tpu.enqueue_dma source(%dma_start3A_60 : memref<1024xi32, #tpu.memory_space<hbm>>) target(%arg13 : memref<1024xi32, #tpu.memory_space<vmem>>) target_semaphore(%run_scoped3A : memref<!tpu.dma_semaphore, #tpu.memory_space<semaphore_mem>>)
        %dma_wait3A = tpu.memref_slice %arg5[%add3A_51] : memref<1048576xi32, #tpu.memory_space<hbm>> -> memref<1024xi32, #tpu.memory_space<hbm>>
        %dma_wait3A_61 = tpu.memref_slice %arg5[%add3A_51] : memref<1048576xi32, #tpu.memory_space<hbm>> -> memref<1024xi32, #tpu.memory_space<hbm>>
        tpu.wait_dma2 semaphore(%run_scoped3A : memref<!tpu.dma_semaphore, #tpu.memory_space<semaphore_mem>>) src(%dma_wait3A_61 : memref<1024xi32, #tpu.memory_space<hbm>>) dst(%arg13 : memref<1024xi32, #tpu.memory_space<vmem>>)
        tpu.yield
      }) : () -> ()
      %scan3A_52 = arith.constant 0 : i32
      %scan3A_53 = arith.constant 0 : i32
      %scan3A_54 = arith.constant 64 : i32
      %scan3A_55 = arith.addi %scan3A_53, %scan3A_54 : i32
      %scan3A_56 = arith.constant 1 : i32
      %scan3A_57 = scf.for %scan3A_60 = %scan3A_53 to %scan3A_55 step %scan3A_56 iter_args(%scan3A_61 = %scan3A_52) -> (i32)  : i32 {
        %mul3A_62 = arith.constant 16 : i32
        %mul3A_63 = arith.muli %scan3A_60, %mul3A_62 : i32
        %get3A = arith.index_cast %mul3A_63 : i32 to index
        %get3A_64 = tpu.vector_load %arg13[%get3A] {strides = array<i32>} : memref<1024xi32, #tpu.memory_space<vmem>>, vector<16xi32>,
        %lt3A_65 = arith.constant 0 : i32
        %lt3A_66 = vector.broadcast %lt3A_65 : i32 to vector<16xi32>
        %lt3A_67 = arith.cmpi slt, %get3A_64, %lt3A_66 : vector<16xi32>
        %jit3A_68 = arith.constant 409600 : i32
        %broadcast_in_dim3A_69 = vector.broadcast %jit3A_68 : i32 to vector<16xi32>
        %select_n3A_70 = arith.select %lt3A_67, %broadcast_in_dim3A_69, %get3A_64 : vector<16xi1>, vector<16xi32>
        %mul3A_71 = arith.constant 16 : i32
        %mul3A_72 = arith.muli %scan3A_60, %mul3A_71 : i32
        %swap3A = arith.index_cast %mul3A_72 : i32 to index
        %swap3A_73 = tpu.vector_load %arg14[%swap3A] {strides = array<i32>} : memref<1024xi32, #tpu.memory_space<vmem>>, vector<16xi32>,
        tpu.vector_store %arg14[%swap3A], %select_n3A_70 {strides = array<i32>} : memref<1024xi32, #tpu.memory_space<vmem>>, vector<16xi32>,
        %scan3A_74 = arith.constant 0 : i32
        scf.yield %scan3A_74 : i32
      }
      %scan3A_58 = arith.constant 64 : i32
      "tpu.region"() ({
        %run_scoped3A = tpu.sem_alloc : memref<!tpu.dma_semaphore, #tpu.memory_space<semaphore_mem>>
        %dma_start3A = arith.constant 0 : i32
        %dma_start3A_60 = tpu.memref_slice %arg25[%dma_start3A] : memref<409608xf32, #tpu.memory_space<vmem_shared>> -> memref<409608xf32, #tpu.memory_space<vmem_shared>>
        tpu.enqueue_indirect_dma source(%arg12 : memref<1024xf32, #tpu.memory_space<vmem>>) target(%dma_start3A_60 : memref<409608xf32, #tpu.memory_space<vmem_shared>>) offsets(%arg14 : memref<1024xi32, #tpu.memory_space<vmem>>) semaphore(%run_scoped3A : memref<!tpu.dma_semaphore, #tpu.memory_space<semaphore_mem>>) {add = true}
        %dma_wait3A = arith.constant 0 : i32
        %dma_wait3A_61 = tpu.memref_slice %arg25[%dma_wait3A] : memref<409608xf32, #tpu.memory_space<vmem_shared>> -> memref<409608xf32, #tpu.memory_space<vmem_shared>>
        tpu.wait_indirect_dma semaphore(%run_scoped3A : memref<!tpu.dma_semaphore, #tpu.memory_space<semaphore_mem>>) src(%arg12 : memref<1024xf32, #tpu.memory_space<vmem>>) dst(%dma_wait3A_61 : memref<409608xf32, #tpu.memory_space<vmem_shared>>)
        tpu.yield
      }) : () -> ()
      %scan3A_59 = arith.constant 0 : i32
      scf.yield %scan3A_59 : i32
    }
    %scan3A_36 = arith.constant 64 : i32
    %barrier3A_37 = arith.constant 0 : index
    tpu.barrier barrier_id(%barrier3A_37)
    %scan3A_38 = arith.constant 0 : i32
    %scan3A_39 = arith.constant 0 : i32
    %scan3A_40 = arith.constant 32 : i32
    %scan3A_41 = arith.addi %scan3A_39, %scan3A_40 : i32
    %scan3A_42 = arith.constant 1 : i32
    %scan3A_43 = scf.for %scan3A_45 = %scan3A_39 to %scan3A_41 step %scan3A_42 iter_args(%scan3A_46 = %scan3A_38) -> (i32)  : i32 {
      %mul3A_47 = arith.constant 32768 : i32
      %mul3A_48 = arith.muli %add3A, %mul3A_47 : i32
      %mul3A_49 = arith.constant 1024 : i32
      %mul3A_50 = arith.muli %scan3A_45, %mul3A_49 : i32
      %add3A_51 = arith.addi %mul3A_48, %mul3A_50 : i32
      "tpu.region"() ({
        %run_scoped3A = tpu.sem_alloc : memref<!tpu.dma_semaphore, #tpu.memory_space<semaphore_mem>>
        %dma_start3A_196 = tpu.memref_slice %arg6[%add3A_51] : memref<1048576xi32, #tpu.memory_space<hbm>> -> memref<1024xi32, #tpu.memory_space<hbm>>
        %dma_start3A_197 = tpu.memref_slice %arg6[%add3A_51] : memref<1048576xi32, #tpu.memory_space<hbm>> -> memref<1024xi32, #tpu.memory_space<hbm>>
        tpu.enqueue_dma source(%dma_start3A_197 : memref<1024xi32, #tpu.memory_space<hbm>>) target(%arg13 : memref<1024xi32, #tpu.memory_space<vmem>>) target_semaphore(%run_scoped3A : memref<!tpu.dma_semaphore, #tpu.memory_space<semaphore_mem>>)
        %dma_wait3A_198 = tpu.memref_slice %arg6[%add3A_51] : memref<1048576xi32, #tpu.memory_space<hbm>> -> memref<1024xi32, #tpu.memory_space<hbm>>
        %dma_wait3A_199 = tpu.memref_slice %arg6[%add3A_51] : memref<1048576xi32, #tpu.memory_space<hbm>> -> memref<1024xi32, #tpu.memory_space<hbm>>
        tpu.wait_dma2 semaphore(%run_scoped3A : memref<!tpu.dma_semaphore, #tpu.memory_space<semaphore_mem>>) src(%dma_wait3A_199 : memref<1024xi32, #tpu.memory_space<hbm>>) dst(%arg13 : memref<1024xi32, #tpu.memory_space<vmem>>)
        tpu.yield
      }) : () -> ()
      %mul3A_52 = arith.constant 3 : i32
      %mul3A_53 = arith.muli %add3A_51, %mul3A_52 : i32
      "tpu.region"() ({
        %run_scoped3A = tpu.sem_alloc : memref<!tpu.dma_semaphore, #tpu.memory_space<semaphore_mem>>
        %dma_start3A_196 = tpu.memref_slice %arg7[%mul3A_53] : memref<3145728xf32, #tpu.memory_space<hbm>> -> memref<3072xf32, #tpu.memory_space<hbm>>
        %dma_start3A_197 = tpu.memref_slice %arg7[%mul3A_53] : memref<3145728xf32, #tpu.memory_space<hbm>> -> memref<3072xf32, #tpu.memory_space<hbm>>
        tpu.enqueue_dma source(%dma_start3A_197 : memref<3072xf32, #tpu.memory_space<hbm>>) target(%arg15 : memref<3072xf32, #tpu.memory_space<vmem>>) target_semaphore(%run_scoped3A : memref<!tpu.dma_semaphore, #tpu.memory_space<semaphore_mem>>)
        %dma_wait3A_198 = tpu.memref_slice %arg7[%mul3A_53] : memref<3145728xf32, #tpu.memory_space<hbm>> -> memref<3072xf32, #tpu.memory_space<hbm>>
        %dma_wait3A_199 = tpu.memref_slice %arg7[%mul3A_53] : memref<3145728xf32, #tpu.memory_space<hbm>> -> memref<3072xf32, #tpu.memory_space<hbm>>
        tpu.wait_dma2 semaphore(%run_scoped3A : memref<!tpu.dma_semaphore, #tpu.memory_space<semaphore_mem>>) src(%dma_wait3A_199 : memref<3072xf32, #tpu.memory_space<hbm>>) dst(%arg15 : memref<3072xf32, #tpu.memory_space<vmem>>)
        tpu.yield
      }) : () -> ()
      %scan3A_54 = arith.constant 0 : i32
      %scan3A_55 = arith.constant 0 : i32
      %scan3A_56 = arith.constant 64 : i32
      %scan3A_57 = arith.addi %scan3A_55, %scan3A_56 : i32
      %scan3A_58 = arith.constant 1 : i32
      %scan3A_59 = scf.for %scan3A_196 = %scan3A_55 to %scan3A_57 step %scan3A_58 iter_args(%scan3A_197 = %scan3A_54) -> (i32)  : i32 {
        %mul3A_198 = arith.constant 16 : i32
        %mul3A_199 = arith.muli %scan3A_196, %mul3A_198 : i32
        %get3A = arith.index_cast %mul3A_199 : i32 to index
        %get3A_200 = tpu.vector_load %arg13[%get3A] {strides = array<i32>} : memref<1024xi32, #tpu.memory_space<vmem>>, vector<16xi32>,
        %max3A = arith.constant 0 : i32
        %max3A_201 = vector.broadcast %max3A : i32 to vector<16xi32>
        %max3A_202 = arith.maxsi %get3A_200, %max3A_201 : vector<16xi32>
        %swap3A = arith.index_cast %mul3A_199 : i32 to index
        %swap3A_203 = tpu.vector_load %arg14[%swap3A] {strides = array<i32>} : memref<1024xi32, #tpu.memory_space<vmem>>, vector<16xi32>,
        tpu.vector_store %arg14[%swap3A], %max3A_202 {strides = array<i32>} : memref<1024xi32, #tpu.memory_space<vmem>>, vector<16xi32>,
        %mul3A_204 = arith.constant 2 : i32
        %mul3A_205 = vector.broadcast %mul3A_204 : i32 to vector<16xi32>
        %mul3A_206 = arith.muli %max3A_202, %mul3A_205 : vector<16xi32>
        %swap3A_207 = arith.index_cast %mul3A_199 : i32 to index
        %swap3A_208 = tpu.vector_load %arg16[%swap3A_207] {strides = array<i32>} : memref<1024xi32, #tpu.memory_space<vmem>>, vector<16xi32>,
        tpu.vector_store %arg16[%swap3A_207], %mul3A_206 {strides = array<i32>} : memref<1024xi32, #tpu.memory_space<vmem>>, vector<16xi32>,
        %mul3A_209 = arith.constant 2 : i32
        %mul3A_210 = vector.broadcast %mul3A_209 : i32 to vector<16xi32>
        %mul3A_211 = arith.muli %max3A_202, %mul3A_210 : vector<16xi32>
        %add3A_212 = arith.constant 1 : i32
        %add3A_213 = vector.broadcast %add3A_212 : i32 to vector<16xi32>
        %add3A_214 = arith.addi %mul3A_211, %add3A_213 : vector<16xi32>
        %swap3A_215 = arith.index_cast %mul3A_199 : i32 to index
        %swap3A_216 = tpu.vector_load %arg17[%swap3A_215] {strides = array<i32>} : memref<1024xi32, #tpu.memory_space<vmem>>, vector<16xi32>,
        tpu.vector_store %arg17[%swap3A_215], %add3A_214 {strides = array<i32>} : memref<1024xi32, #tpu.memory_space<vmem>>, vector<16xi32>,
        %scan3A_217 = arith.constant 0 : i32
        scf.yield %scan3A_217 : i32
      }
      %scan3A_60 = arith.constant 64 : i32
      %dma_start3A = arith.constant 0 : i32
      %dma_start3A_61 = tpu.memref_slice %arg4[%dma_start3A] : memref<800000xi32, #tpu.memory_space<hbm>> -> memref<800000xi32, #tpu.memory_space<hbm>>
      tpu.enqueue_indirect_dma source(%dma_start3A_61 : memref<800000xi32, #tpu.memory_space<hbm>>) target(%arg18 : memref<1024xi32, #tpu.memory_space<vmem>>) offsets(%arg16 : memref<1024xi32, #tpu.memory_space<vmem>>) semaphore(%arg26 : memref<!tpu.dma_semaphore, #tpu.memory_space<semaphore_mem>>)
      %dma_start3A_62 = arith.constant 0 : i32
      %dma_start3A_63 = tpu.memref_slice %arg4[%dma_start3A_62] : memref<800000xi32, #tpu.memory_space<hbm>> -> memref<800000xi32, #tpu.memory_space<hbm>>
      tpu.enqueue_indirect_dma source(%dma_start3A_63 : memref<800000xi32, #tpu.memory_space<hbm>>) target(%arg19 : memref<1024xi32, #tpu.memory_space<vmem>>) offsets(%arg17 : memref<1024xi32, #tpu.memory_space<vmem>>) semaphore(%arg26 : memref<!tpu.dma_semaphore, #tpu.memory_space<semaphore_mem>>)
      %dma_wait3A = arith.constant 0 : i32
      %dma_wait3A_64 = tpu.memref_slice %arg4[%dma_wait3A] : memref<800000xi32, #tpu.memory_space<hbm>> -> memref<800000xi32, #tpu.memory_space<hbm>>
      tpu.wait_indirect_dma semaphore(%arg26 : memref<!tpu.dma_semaphore, #tpu.memory_space<semaphore_mem>>) src(%dma_wait3A_64 : memref<800000xi32, #tpu.memory_space<hbm>>) dst(%arg18 : memref<1024xi32, #tpu.memory_space<vmem>>)
      %dma_wait3A_65 = arith.constant 0 : i32
      %dma_wait3A_66 = tpu.memref_slice %arg4[%dma_wait3A_65] : memref<800000xi32, #tpu.memory_space<hbm>> -> memref<800000xi32, #tpu.memory_space<hbm>>
      tpu.wait_indirect_dma semaphore(%arg26 : memref<!tpu.dma_semaphore, #tpu.memory_space<semaphore_mem>>) src(%dma_wait3A_66 : memref<800000xi32, #tpu.memory_space<hbm>>) dst(%arg19 : memref<1024xi32, #tpu.memory_space<vmem>>)
      %scan3A_67 = arith.constant 0 : i32
      %scan3A_68 = arith.constant 0 : i32
      %scan3A_69 = arith.constant 64 : i32
      %scan3A_70 = arith.addi %scan3A_68, %scan3A_69 : i32
      %scan3A_71 = arith.constant 1 : i32
      %scan3A_72 = scf.for %scan3A_196 = %scan3A_68 to %scan3A_70 step %scan3A_71 iter_args(%scan3A_197 = %scan3A_67) -> (i32)  : i32 {
        %mul3A_198 = arith.constant 16 : i32
        %mul3A_199 = arith.muli %scan3A_196, %mul3A_198 : i32
        %get3A = arith.index_cast %mul3A_199 : i32 to index
        %get3A_200 = tpu.vector_load %arg18[%get3A] {strides = array<i32>} : memref<1024xi32, #tpu.memory_space<vmem>>, vector<16xi32>,
        %get3A_201 = arith.index_cast %mul3A_199 : i32 to index
        %get3A_202 = tpu.vector_load %arg19[%get3A_201] {strides = array<i32>} : memref<1024xi32, #tpu.memory_space<vmem>>, vector<16xi32>,
        %and3A_203 = arith.constant 262143 : i32
        %and3A_204 = vector.broadcast %and3A_203 : i32 to vector<16xi32>
        %and3A_205 = arith.andi %get3A_200, %and3A_204 : vector<16xi32>
        %shift_right_logical3A = arith.constant 18 : i32
        %shift_right_logical3A_206 = vector.broadcast %shift_right_logical3A : i32 to vector<16xi32>
        %shift_right_logical3A_207 = arith.shrui %get3A_200, %shift_right_logical3A_206 : vector<16xi32>
        %and3A_208 = arith.constant 16383 : i32
        %and3A_209 = vector.broadcast %and3A_208 : i32 to vector<16xi32>
        %and3A_210 = arith.andi %shift_right_logical3A_207, %and3A_209 : vector<16xi32>
        %and3A_211 = arith.constant 15 : i32
        %and3A_212 = vector.broadcast %and3A_211 : i32 to vector<16xi32>
        %and3A_213 = arith.andi %get3A_202, %and3A_212 : vector<16xi32>
        %shift_left3A = arith.constant 14 : i32
        %shift_left3A_214 = vector.broadcast %shift_left3A : i32 to vector<16xi32>
        %shift_left3A_215 = arith.shli %and3A_213, %shift_left3A_214 : vector<16xi32>
        %or3A = arith.ori %and3A_210, %shift_left3A_215 : vector<16xi32>
        %shift_right_logical3A_216 = arith.constant 4 : i32
        %shift_right_logical3A_217 = vector.broadcast %shift_right_logical3A_216 : i32 to vector<16xi32>
        %shift_right_logical3A_218 = arith.shrui %get3A_202, %shift_right_logical3A_217 : vector<16xi32>
        %mul3A_219 = arith.constant 3 : i32
        %mul3A_220 = vector.broadcast %mul3A_219 : i32 to vector<16xi32>
        %mul3A_221 = arith.muli %and3A_205, %mul3A_220 : vector<16xi32>
        %add3A_222 = arith.constant 0 : i32
        %add3A_223 = arith.addi %add3A_222, %mul3A_199 : i32
        %swap3A = arith.index_cast %add3A_223 : i32 to index
        %swap3A_224 = tpu.vector_load %arg20[%swap3A] {strides = array<i32>} : memref<9216xi32, #tpu.memory_space<vmem>>, vector<16xi32>,
        tpu.vector_store %arg20[%swap3A], %mul3A_221 {strides = array<i32>} : memref<9216xi32, #tpu.memory_space<vmem>>, vector<16xi32>,
        %add3A_225 = arith.constant 1 : i32
        %add3A_226 = vector.broadcast %add3A_225 : i32 to vector<16xi32>
        %add3A_227 = arith.addi %mul3A_221, %add3A_226 : vector<16xi32>
        %add3A_228 = arith.constant 1024 : i32
        %add3A_229 = arith.addi %add3A_228, %mul3A_199 : i32
        %swap3A_230 = arith.index_cast %add3A_229 : i32 to index
        %swap3A_231 = tpu.vector_load %arg20[%swap3A_230] {strides = array<i32>} : memref<9216xi32, #tpu.memory_space<vmem>>, vector<16xi32>,
        tpu.vector_store %arg20[%swap3A_230], %add3A_227 {strides = array<i32>} : memref<9216xi32, #tpu.memory_space<vmem>>, vector<16xi32>,
        %add3A_232 = arith.constant 2 : i32
        %add3A_233 = vector.broadcast %add3A_232 : i32 to vector<16xi32>
        %add3A_234 = arith.addi %mul3A_221, %add3A_233 : vector<16xi32>
        %add3A_235 = arith.constant 2048 : i32
        %add3A_236 = arith.addi %add3A_235, %mul3A_199 : i32
        %swap3A_237 = arith.index_cast %add3A_236 : i32 to index
        %swap3A_238 = tpu.vector_load %arg20[%swap3A_237] {strides = array<i32>} : memref<9216xi32, #tpu.memory_space<vmem>>, vector<16xi32>,
        tpu.vector_store %arg20[%swap3A_237], %add3A_234 {strides = array<i32>} : memref<9216xi32, #tpu.memory_space<vmem>>, vector<16xi32>,
        %mul3A_239 = arith.constant 3 : i32
        %mul3A_240 = vector.broadcast %mul3A_239 : i32 to vector<16xi32>
        %mul3A_241 = arith.muli %or3A, %mul3A_240 : vector<16xi32>
        %add3A_242 = arith.constant 3072 : i32
        %add3A_243 = arith.addi %add3A_242, %mul3A_199 : i32
        %swap3A_244 = arith.index_cast %add3A_243 : i32 to index
        %swap3A_245 = tpu.vector_load %arg20[%swap3A_244] {strides = array<i32>} : memref<9216xi32, #tpu.memory_space<vmem>>, vector<16xi32>,
        tpu.vector_store %arg20[%swap3A_244], %mul3A_241 {strides = array<i32>} : memref<9216xi32, #tpu.memory_space<vmem>>, vector<16xi32>,
        %add3A_246 = arith.constant 1 : i32
        %add3A_247 = vector.broadcast %add3A_246 : i32 to vector<16xi32>
        %add3A_248 = arith.addi %mul3A_241, %add3A_247 : vector<16xi32>
        %add3A_249 = arith.constant 4096 : i32
        %add3A_250 = arith.addi %add3A_249, %mul3A_199 : i32
        %swap3A_251 = arith.index_cast %add3A_250 : i32 to index
        %swap3A_252 = tpu.vector_load %arg20[%swap3A_251] {strides = array<i32>} : memref<9216xi32, #tpu.memory_space<vmem>>, vector<16xi32>,
        tpu.vector_store %arg20[%swap3A_251], %add3A_248 {strides = array<i32>} : memref<9216xi32, #tpu.memory_space<vmem>>, vector<16xi32>,
        %add3A_253 = arith.constant 2 : i32
        %add3A_254 = vector.broadcast %add3A_253 : i32 to vector<16xi32>
        %add3A_255 = arith.addi %mul3A_241, %add3A_254 : vector<16xi32>
        %add3A_256 = arith.constant 5120 : i32
        %add3A_257 = arith.addi %add3A_256, %mul3A_199 : i32
        %swap3A_258 = arith.index_cast %add3A_257 : i32 to index
        %swap3A_259 = tpu.vector_load %arg20[%swap3A_258] {strides = array<i32>} : memref<9216xi32, #tpu.memory_space<vmem>>, vector<16xi32>,
        tpu.vector_store %arg20[%swap3A_258], %add3A_255 {strides = array<i32>} : memref<9216xi32, #tpu.memory_space<vmem>>, vector<16xi32>,
        %mul3A_260 = arith.constant 3 : i32
        %mul3A_261 = vector.broadcast %mul3A_260 : i32 to vector<16xi32>
        %mul3A_262 = arith.muli %shift_right_logical3A_218, %mul3A_261 : vector<16xi32>
        %add3A_263 = arith.constant 6144 : i32
        %add3A_264 = arith.addi %add3A_263, %mul3A_199 : i32
        %swap3A_265 = arith.index_cast %add3A_264 : i32 to index
        %swap3A_266 = tpu.vector_load %arg20[%swap3A_265] {strides = array<i32>} : memref<9216xi32, #tpu.memory_space<vmem>>, vector<16xi32>,
        tpu.vector_store %arg20[%swap3A_265], %mul3A_262 {strides = array<i32>} : memref<9216xi32, #tpu.memory_space<vmem>>, vector<16xi32>,
        %add3A_267 = arith.constant 1 : i32
        %add3A_268 = vector.broadcast %add3A_267 : i32 to vector<16xi32>
        %add3A_269 = arith.addi %mul3A_262, %add3A_268 : vector<16xi32>
        %add3A_270 = arith.constant 7168 : i32
        %add3A_271 = arith.addi %add3A_270, %mul3A_199 : i32
        %swap3A_272 = arith.index_cast %add3A_271 : i32 to index
        %swap3A_273 = tpu.vector_load %arg20[%swap3A_272] {strides = array<i32>} : memref<9216xi32, #tpu.memory_space<vmem>>, vector<16xi32>,
        tpu.vector_store %arg20[%swap3A_272], %add3A_269 {strides = array<i32>} : memref<9216xi32, #tpu.memory_space<vmem>>, vector<16xi32>,
        %add3A_274 = arith.constant 2 : i32
        %add3A_275 = vector.broadcast %add3A_274 : i32 to vector<16xi32>
        %add3A_276 = arith.addi %mul3A_262, %add3A_275 : vector<16xi32>
        %add3A_277 = arith.constant 8192 : i32
        %add3A_278 = arith.addi %add3A_277, %mul3A_199 : i32
        %swap3A_279 = arith.index_cast %add3A_278 : i32 to index
        %swap3A_280 = tpu.vector_load %arg20[%swap3A_279] {strides = array<i32>} : memref<9216xi32, #tpu.memory_space<vmem>>, vector<16xi32>,
        tpu.vector_store %arg20[%swap3A_279], %add3A_276 {strides = array<i32>} : memref<9216xi32, #tpu.memory_space<vmem>>, vector<16xi32>,
        %scan3A_281 = arith.constant 0 : i32
        scf.yield %scan3A_281 : i32
      }
      %scan3A_73 = arith.constant 64 : i32
      %dma_start3A_74 = arith.constant 0 : i32
      %dma_start3A_75 = tpu.memref_slice %arg21[%dma_start3A_74] : memref<9216xf32, #tpu.memory_space<vmem>> -> memref<1024xf32, #tpu.memory_space<vmem>>
      %dma_start3A_76 = arith.constant 0 : i32
      %dma_start3A_77 = tpu.memref_slice %arg20[%dma_start3A_76] : memref<9216xi32, #tpu.memory_space<vmem>> -> memref<1024xi32, #tpu.memory_space<vmem>>
      %dma_start3A_78 = arith.constant 0 : i32
      %dma_start3A_79 = tpu.memref_slice %arg24[%dma_start3A_78] : memref<600016xf32, #tpu.memory_space<vmem_shared>> -> memref<600016xf32, #tpu.memory_space<vmem_shared>>
      tpu.enqueue_indirect_dma source(%dma_start3A_79 : memref<600016xf32, #tpu.memory_space<vmem_shared>>) target(%dma_start3A_75 : memref<1024xf32, #tpu.memory_space<vmem>>) offsets(%dma_start3A_77 : memref<1024xi32, #tpu.memory_space<vmem>>) semaphore(%arg26 : memref<!tpu.dma_semaphore, #tpu.memory_space<semaphore_mem>>)
      %dma_start3A_80 = arith.constant 1024 : i32
      %dma_start3A_81 = tpu.memref_slice %arg21[%dma_start3A_80] : memref<9216xf32, #tpu.memory_space<vmem>> -> memref<1024xf32, #tpu.memory_space<vmem>>
      %dma_start3A_82 = arith.constant 1024 : i32
      %dma_start3A_83 = tpu.memref_slice %arg20[%dma_start3A_82] : memref<9216xi32, #tpu.memory_space<vmem>> -> memref<1024xi32, #tpu.memory_space<vmem>>
      %dma_start3A_84 = arith.constant 0 : i32
      %dma_start3A_85 = tpu.memref_slice %arg24[%dma_start3A_84] : memref<600016xf32, #tpu.memory_space<vmem_shared>> -> memref<600016xf32, #tpu.memory_space<vmem_shared>>
      tpu.enqueue_indirect_dma source(%dma_start3A_85 : memref<600016xf32, #tpu.memory_space<vmem_shared>>) target(%dma_start3A_81 : memref<1024xf32, #tpu.memory_space<vmem>>) offsets(%dma_start3A_83 : memref<1024xi32, #tpu.memory_space<vmem>>) semaphore(%arg26 : memref<!tpu.dma_semaphore, #tpu.memory_space<semaphore_mem>>)
      %dma_start3A_86 = arith.constant 2048 : i32
      %dma_start3A_87 = tpu.memref_slice %arg21[%dma_start3A_86] : memref<9216xf32, #tpu.memory_space<vmem>> -> memref<1024xf32, #tpu.memory_space<vmem>>
      %dma_start3A_88 = arith.constant 2048 : i32
      %dma_start3A_89 = tpu.memref_slice %arg20[%dma_start3A_88] : memref<9216xi32, #tpu.memory_space<vmem>> -> memref<1024xi32, #tpu.memory_space<vmem>>
      %dma_start3A_90 = arith.constant 0 : i32
      %dma_start3A_91 = tpu.memref_slice %arg24[%dma_start3A_90] : memref<600016xf32, #tpu.memory_space<vmem_shared>> -> memref<600016xf32, #tpu.memory_space<vmem_shared>>
      tpu.enqueue_indirect_dma source(%dma_start3A_91 : memref<600016xf32, #tpu.memory_space<vmem_shared>>) target(%dma_start3A_87 : memref<1024xf32, #tpu.memory_space<vmem>>) offsets(%dma_start3A_89 : memref<1024xi32, #tpu.memory_space<vmem>>) semaphore(%arg26 : memref<!tpu.dma_semaphore, #tpu.memory_space<semaphore_mem>>)
      %dma_start3A_92 = arith.constant 3072 : i32
      %dma_start3A_93 = tpu.memref_slice %arg21[%dma_start3A_92] : memref<9216xf32, #tpu.memory_space<vmem>> -> memref<1024xf32, #tpu.memory_space<vmem>>
      %dma_start3A_94 = arith.constant 3072 : i32
      %dma_start3A_95 = tpu.memref_slice %arg20[%dma_start3A_94] : memref<9216xi32, #tpu.memory_space<vmem>> -> memref<1024xi32, #tpu.memory_space<vmem>>
      %dma_start3A_96 = arith.constant 0 : i32
      %dma_start3A_97 = tpu.memref_slice %arg24[%dma_start3A_96] : memref<600016xf32, #tpu.memory_space<vmem_shared>> -> memref<600016xf32, #tpu.memory_space<vmem_shared>>
      tpu.enqueue_indirect_dma source(%dma_start3A_97 : memref<600016xf32, #tpu.memory_space<vmem_shared>>) target(%dma_start3A_93 : memref<1024xf32, #tpu.memory_space<vmem>>) offsets(%dma_start3A_95 : memref<1024xi32, #tpu.memory_space<vmem>>) semaphore(%arg26 : memref<!tpu.dma_semaphore, #tpu.memory_space<semaphore_mem>>)
      %dma_start3A_98 = arith.constant 4096 : i32
      %dma_start3A_99 = tpu.memref_slice %arg21[%dma_start3A_98] : memref<9216xf32, #tpu.memory_space<vmem>> -> memref<1024xf32, #tpu.memory_space<vmem>>
      %dma_start3A_100 = arith.constant 4096 : i32
      %dma_start3A_101 = tpu.memref_slice %arg20[%dma_start3A_100] : memref<9216xi32, #tpu.memory_space<vmem>> -> memref<1024xi32, #tpu.memory_space<vmem>>
      %dma_start3A_102 = arith.constant 0 : i32
      %dma_start3A_103 = tpu.memref_slice %arg24[%dma_start3A_102] : memref<600016xf32, #tpu.memory_space<vmem_shared>> -> memref<600016xf32, #tpu.memory_space<vmem_shared>>
      tpu.enqueue_indirect_dma source(%dma_start3A_103 : memref<600016xf32, #tpu.memory_space<vmem_shared>>) target(%dma_start3A_99 : memref<1024xf32, #tpu.memory_space<vmem>>) offsets(%dma_start3A_101 : memref<1024xi32, #tpu.memory_space<vmem>>) semaphore(%arg26 : memref<!tpu.dma_semaphore, #tpu.memory_space<semaphore_mem>>)
      %dma_start3A_104 = arith.constant 5120 : i32
      %dma_start3A_105 = tpu.memref_slice %arg21[%dma_start3A_104] : memref<9216xf32, #tpu.memory_space<vmem>> -> memref<1024xf32, #tpu.memory_space<vmem>>
      %dma_start3A_106 = arith.constant 5120 : i32
      %dma_start3A_107 = tpu.memref_slice %arg20[%dma_start3A_106] : memref<9216xi32, #tpu.memory_space<vmem>> -> memref<1024xi32, #tpu.memory_space<vmem>>
      %dma_start3A_108 = arith.constant 0 : i32
      %dma_start3A_109 = tpu.memref_slice %arg24[%dma_start3A_108] : memref<600016xf32, #tpu.memory_space<vmem_shared>> -> memref<600016xf32, #tpu.memory_space<vmem_shared>>
      tpu.enqueue_indirect_dma source(%dma_start3A_109 : memref<600016xf32, #tpu.memory_space<vmem_shared>>) target(%dma_start3A_105 : memref<1024xf32, #tpu.memory_space<vmem>>) offsets(%dma_start3A_107 : memref<1024xi32, #tpu.memory_space<vmem>>) semaphore(%arg26 : memref<!tpu.dma_semaphore, #tpu.memory_space<semaphore_mem>>)
      %dma_start3A_110 = arith.constant 6144 : i32
      %dma_start3A_111 = tpu.memref_slice %arg21[%dma_start3A_110] : memref<9216xf32, #tpu.memory_space<vmem>> -> memref<1024xf32, #tpu.memory_space<vmem>>
      %dma_start3A_112 = arith.constant 6144 : i32
      %dma_start3A_113 = tpu.memref_slice %arg20[%dma_start3A_112] : memref<9216xi32, #tpu.memory_space<vmem>> -> memref<1024xi32, #tpu.memory_space<vmem>>
      %dma_start3A_114 = arith.constant 0 : i32
      %dma_start3A_115 = tpu.memref_slice %arg24[%dma_start3A_114] : memref<600016xf32, #tpu.memory_space<vmem_shared>> -> memref<600016xf32, #tpu.memory_space<vmem_shared>>
      tpu.enqueue_indirect_dma source(%dma_start3A_115 : memref<600016xf32, #tpu.memory_space<vmem_shared>>) target(%dma_start3A_111 : memref<1024xf32, #tpu.memory_space<vmem>>) offsets(%dma_start3A_113 : memref<1024xi32, #tpu.memory_space<vmem>>) semaphore(%arg26 : memref<!tpu.dma_semaphore, #tpu.memory_space<semaphore_mem>>)
      %dma_start3A_116 = arith.constant 7168 : i32
      %dma_start3A_117 = tpu.memref_slice %arg21[%dma_start3A_116] : memref<9216xf32, #tpu.memory_space<vmem>> -> memref<1024xf32, #tpu.memory_space<vmem>>
      %dma_start3A_118 = arith.constant 7168 : i32
      %dma_start3A_119 = tpu.memref_slice %arg20[%dma_start3A_118] : memref<9216xi32, #tpu.memory_space<vmem>> -> memref<1024xi32, #tpu.memory_space<vmem>>
      %dma_start3A_120 = arith.constant 0 : i32
      %dma_start3A_121 = tpu.memref_slice %arg24[%dma_start3A_120] : memref<600016xf32, #tpu.memory_space<vmem_shared>> -> memref<600016xf32, #tpu.memory_space<vmem_shared>>
      tpu.enqueue_indirect_dma source(%dma_start3A_121 : memref<600016xf32, #tpu.memory_space<vmem_shared>>) target(%dma_start3A_117 : memref<1024xf32, #tpu.memory_space<vmem>>) offsets(%dma_start3A_119 : memref<1024xi32, #tpu.memory_space<vmem>>) semaphore(%arg26 : memref<!tpu.dma_semaphore, #tpu.memory_space<semaphore_mem>>)
      %dma_start3A_122 = arith.constant 8192 : i32
      %dma_start3A_123 = tpu.memref_slice %arg21[%dma_start3A_122] : memref<9216xf32, #tpu.memory_space<vmem>> -> memref<1024xf32, #tpu.memory_space<vmem>>
      %dma_start3A_124 = arith.constant 8192 : i32
      %dma_start3A_125 = tpu.memref_slice %arg20[%dma_start3A_124] : memref<9216xi32, #tpu.memory_space<vmem>> -> memref<1024xi32, #tpu.memory_space<vmem>>
      %dma_start3A_126 = arith.constant 0 : i32
      %dma_start3A_127 = tpu.memref_slice %arg24[%dma_start3A_126] : memref<600016xf32, #tpu.memory_space<vmem_shared>> -> memref<600016xf32, #tpu.memory_space<vmem_shared>>
      tpu.enqueue_indirect_dma source(%dma_start3A_127 : memref<600016xf32, #tpu.memory_space<vmem_shared>>) target(%dma_start3A_123 : memref<1024xf32, #tpu.memory_space<vmem>>) offsets(%dma_start3A_125 : memref<1024xi32, #tpu.memory_space<vmem>>) semaphore(%arg26 : memref<!tpu.dma_semaphore, #tpu.memory_space<semaphore_mem>>)
      %dma_start3A_128 = arith.constant 0 : i32
      %dma_start3A_129 = tpu.memref_slice %arg25[%dma_start3A_128] : memref<409608xf32, #tpu.memory_space<vmem_shared>> -> memref<409608xf32, #tpu.memory_space<vmem_shared>>
      tpu.enqueue_indirect_dma source(%dma_start3A_129 : memref<409608xf32, #tpu.memory_space<vmem_shared>>) target(%arg22 : memref<1024xf32, #tpu.memory_space<vmem>>) offsets(%arg14 : memref<1024xi32, #tpu.memory_space<vmem>>) semaphore(%arg26 : memref<!tpu.dma_semaphore, #tpu.memory_space<semaphore_mem>>)
      %dma_wait3A_130 = arith.constant 0 : i32
      %dma_wait3A_131 = tpu.memref_slice %arg21[%dma_wait3A_130] : memref<9216xf32, #tpu.memory_space<vmem>> -> memref<1024xf32, #tpu.memory_space<vmem>>
      %dma_wait3A_132 = arith.constant 0 : i32
      %dma_wait3A_133 = tpu.memref_slice %arg20[%dma_wait3A_132] : memref<9216xi32, #tpu.memory_space<vmem>> -> memref<1024xi32, #tpu.memory_space<vmem>>
      %dma_wait3A_134 = arith.constant 0 : i32
      %dma_wait3A_135 = tpu.memref_slice %arg24[%dma_wait3A_134] : memref<600016xf32, #tpu.memory_space<vmem_shared>> -> memref<600016xf32, #tpu.memory_space<vmem_shared>>
      tpu.wait_indirect_dma semaphore(%arg26 : memref<!tpu.dma_semaphore, #tpu.memory_space<semaphore_mem>>) src(%dma_wait3A_135 : memref<600016xf32, #tpu.memory_space<vmem_shared>>) dst(%dma_wait3A_131 : memref<1024xf32, #tpu.memory_space<vmem>>)
      %dma_wait3A_136 = arith.constant 1024 : i32
      %dma_wait3A_137 = tpu.memref_slice %arg21[%dma_wait3A_136] : memref<9216xf32, #tpu.memory_space<vmem>> -> memref<1024xf32, #tpu.memory_space<vmem>>
      %dma_wait3A_138 = arith.constant 1024 : i32
      %dma_wait3A_139 = tpu.memref_slice %arg20[%dma_wait3A_138] : memref<9216xi32, #tpu.memory_space<vmem>> -> memref<1024xi32, #tpu.memory_space<vmem>>
      %dma_wait3A_140 = arith.constant 0 : i32
      %dma_wait3A_141 = tpu.memref_slice %arg24[%dma_wait3A_140] : memref<600016xf32, #tpu.memory_space<vmem_shared>> -> memref<600016xf32, #tpu.memory_space<vmem_shared>>
      tpu.wait_indirect_dma semaphore(%arg26 : memref<!tpu.dma_semaphore, #tpu.memory_space<semaphore_mem>>) src(%dma_wait3A_141 : memref<600016xf32, #tpu.memory_space<vmem_shared>>) dst(%dma_wait3A_137 : memref<1024xf32, #tpu.memory_space<vmem>>)
      %dma_wait3A_142 = arith.constant 2048 : i32
      %dma_wait3A_143 = tpu.memref_slice %arg21[%dma_wait3A_142] : memref<9216xf32, #tpu.memory_space<vmem>> -> memref<1024xf32, #tpu.memory_space<vmem>>
      %dma_wait3A_144 = arith.constant 2048 : i32
      %dma_wait3A_145 = tpu.memref_slice %arg20[%dma_wait3A_144] : memref<9216xi32, #tpu.memory_space<vmem>> -> memref<1024xi32, #tpu.memory_space<vmem>>
      %dma_wait3A_146 = arith.constant 0 : i32
      %dma_wait3A_147 = tpu.memref_slice %arg24[%dma_wait3A_146] : memref<600016xf32, #tpu.memory_space<vmem_shared>> -> memref<600016xf32, #tpu.memory_space<vmem_shared>>
      tpu.wait_indirect_dma semaphore(%arg26 : memref<!tpu.dma_semaphore, #tpu.memory_space<semaphore_mem>>) src(%dma_wait3A_147 : memref<600016xf32, #tpu.memory_space<vmem_shared>>) dst(%dma_wait3A_143 : memref<1024xf32, #tpu.memory_space<vmem>>)
      %dma_wait3A_148 = arith.constant 3072 : i32
      %dma_wait3A_149 = tpu.memref_slice %arg21[%dma_wait3A_148] : memref<9216xf32, #tpu.memory_space<vmem>> -> memref<1024xf32, #tpu.memory_space<vmem>>
      %dma_wait3A_150 = arith.constant 3072 : i32
      %dma_wait3A_151 = tpu.memref_slice %arg20[%dma_wait3A_150] : memref<9216xi32, #tpu.memory_space<vmem>> -> memref<1024xi32, #tpu.memory_space<vmem>>
      %dma_wait3A_152 = arith.constant 0 : i32
      %dma_wait3A_153 = tpu.memref_slice %arg24[%dma_wait3A_152] : memref<600016xf32, #tpu.memory_space<vmem_shared>> -> memref<600016xf32, #tpu.memory_space<vmem_shared>>
      tpu.wait_indirect_dma semaphore(%arg26 : memref<!tpu.dma_semaphore, #tpu.memory_space<semaphore_mem>>) src(%dma_wait3A_153 : memref<600016xf32, #tpu.memory_space<vmem_shared>>) dst(%dma_wait3A_149 : memref<1024xf32, #tpu.memory_space<vmem>>)
      %dma_wait3A_154 = arith.constant 4096 : i32
      %dma_wait3A_155 = tpu.memref_slice %arg21[%dma_wait3A_154] : memref<9216xf32, #tpu.memory_space<vmem>> -> memref<1024xf32, #tpu.memory_space<vmem>>
      %dma_wait3A_156 = arith.constant 4096 : i32
      %dma_wait3A_157 = tpu.memref_slice %arg20[%dma_wait3A_156] : memref<9216xi32, #tpu.memory_space<vmem>> -> memref<1024xi32, #tpu.memory_space<vmem>>
      %dma_wait3A_158 = arith.constant 0 : i32
      %dma_wait3A_159 = tpu.memref_slice %arg24[%dma_wait3A_158] : memref<600016xf32, #tpu.memory_space<vmem_shared>> -> memref<600016xf32, #tpu.memory_space<vmem_shared>>
      tpu.wait_indirect_dma semaphore(%arg26 : memref<!tpu.dma_semaphore, #tpu.memory_space<semaphore_mem>>) src(%dma_wait3A_159 : memref<600016xf32, #tpu.memory_space<vmem_shared>>) dst(%dma_wait3A_155 : memref<1024xf32, #tpu.memory_space<vmem>>)
      %dma_wait3A_160 = arith.constant 5120 : i32
      %dma_wait3A_161 = tpu.memref_slice %arg21[%dma_wait3A_160] : memref<9216xf32, #tpu.memory_space<vmem>> -> memref<1024xf32, #tpu.memory_space<vmem>>
      %dma_wait3A_162 = arith.constant 5120 : i32
      %dma_wait3A_163 = tpu.memref_slice %arg20[%dma_wait3A_162] : memref<9216xi32, #tpu.memory_space<vmem>> -> memref<1024xi32, #tpu.memory_space<vmem>>
      %dma_wait3A_164 = arith.constant 0 : i32
      %dma_wait3A_165 = tpu.memref_slice %arg24[%dma_wait3A_164] : memref<600016xf32, #tpu.memory_space<vmem_shared>> -> memref<600016xf32, #tpu.memory_space<vmem_shared>>
      tpu.wait_indirect_dma semaphore(%arg26 : memref<!tpu.dma_semaphore, #tpu.memory_space<semaphore_mem>>) src(%dma_wait3A_165 : memref<600016xf32, #tpu.memory_space<vmem_shared>>) dst(%dma_wait3A_161 : memref<1024xf32, #tpu.memory_space<vmem>>)
      %dma_wait3A_166 = arith.constant 6144 : i32
      %dma_wait3A_167 = tpu.memref_slice %arg21[%dma_wait3A_166] : memref<9216xf32, #tpu.memory_space<vmem>> -> memref<1024xf32, #tpu.memory_space<vmem>>
      %dma_wait3A_168 = arith.constant 6144 : i32
      %dma_wait3A_169 = tpu.memref_slice %arg20[%dma_wait3A_168] : memref<9216xi32, #tpu.memory_space<vmem>> -> memref<1024xi32, #tpu.memory_space<vmem>>
      %dma_wait3A_170 = arith.constant 0 : i32
      %dma_wait3A_171 = tpu.memref_slice %arg24[%dma_wait3A_170] : memref<600016xf32, #tpu.memory_space<vmem_shared>> -> memref<600016xf32, #tpu.memory_space<vmem_shared>>
      tpu.wait_indirect_dma semaphore(%arg26 : memref<!tpu.dma_semaphore, #tpu.memory_space<semaphore_mem>>) src(%dma_wait3A_171 : memref<600016xf32, #tpu.memory_space<vmem_shared>>) dst(%dma_wait3A_167 : memref<1024xf32, #tpu.memory_space<vmem>>)
      %dma_wait3A_172 = arith.constant 7168 : i32
      %dma_wait3A_173 = tpu.memref_slice %arg21[%dma_wait3A_172] : memref<9216xf32, #tpu.memory_space<vmem>> -> memref<1024xf32, #tpu.memory_space<vmem>>
      %dma_wait3A_174 = arith.constant 7168 : i32
      %dma_wait3A_175 = tpu.memref_slice %arg20[%dma_wait3A_174] : memref<9216xi32, #tpu.memory_space<vmem>> -> memref<1024xi32, #tpu.memory_space<vmem>>
      %dma_wait3A_176 = arith.constant 0 : i32
      %dma_wait3A_177 = tpu.memref_slice %arg24[%dma_wait3A_176] : memref<600016xf32, #tpu.memory_space<vmem_shared>> -> memref<600016xf32, #tpu.memory_space<vmem_shared>>
      tpu.wait_indirect_dma semaphore(%arg26 : memref<!tpu.dma_semaphore, #tpu.memory_space<semaphore_mem>>) src(%dma_wait3A_177 : memref<600016xf32, #tpu.memory_space<vmem_shared>>) dst(%dma_wait3A_173 : memref<1024xf32, #tpu.memory_space<vmem>>)
      %dma_wait3A_178 = arith.constant 8192 : i32
      %dma_wait3A_179 = tpu.memref_slice %arg21[%dma_wait3A_178] : memref<9216xf32, #tpu.memory_space<vmem>> -> memref<1024xf32, #tpu.memory_space<vmem>>
      %dma_wait3A_180 = arith.constant 8192 : i32
      %dma_wait3A_181 = tpu.memref_slice %arg20[%dma_wait3A_180] : memref<9216xi32, #tpu.memory_space<vmem>> -> memref<1024xi32, #tpu.memory_space<vmem>>
      %dma_wait3A_182 = arith.constant 0 : i32
      %dma_wait3A_183 = tpu.memref_slice %arg24[%dma_wait3A_182] : memref<600016xf32, #tpu.memory_space<vmem_shared>> -> memref<600016xf32, #tpu.memory_space<vmem_shared>>
      tpu.wait_indirect_dma semaphore(%arg26 : memref<!tpu.dma_semaphore, #tpu.memory_space<semaphore_mem>>) src(%dma_wait3A_183 : memref<600016xf32, #tpu.memory_space<vmem_shared>>) dst(%dma_wait3A_179 : memref<1024xf32, #tpu.memory_space<vmem>>)
      %dma_wait3A_184 = arith.constant 0 : i32
      %dma_wait3A_185 = tpu.memref_slice %arg25[%dma_wait3A_184] : memref<409608xf32, #tpu.memory_space<vmem_shared>> -> memref<409608xf32, #tpu.memory_space<vmem_shared>>
      tpu.wait_indirect_dma semaphore(%arg26 : memref<!tpu.dma_semaphore, #tpu.memory_space<semaphore_mem>>) src(%dma_wait3A_185 : memref<409608xf32, #tpu.memory_space<vmem_shared>>) dst(%arg22 : memref<1024xf32, #tpu.memory_space<vmem>>)
      %scan3A_186 = arith.constant 0 : i32
      %scan3A_187 = arith.constant 0 : i32
      %scan3A_188 = arith.constant 64 : i32
      %scan3A_189 = arith.addi %scan3A_187, %scan3A_188 : i32
      %scan3A_190 = arith.constant 1 : i32
      %scan3A_191 = scf.for %scan3A_196 = %scan3A_187 to %scan3A_189 step %scan3A_190 iter_args(%scan3A_197 = %scan3A_186) -> (i32)  : i32 {
        %mul3A_198 = arith.constant 16 : i32
        %mul3A_199 = arith.muli %scan3A_196, %mul3A_198 : i32
        %add3A_200 = vector.broadcast %mul3A_199 : i32 to vector<16xi32>
        %add3A_201 = arith.addi %add3A_200, %iota3A : vector<16xi32>
        %mul3A_202 = arith.constant 3 : i32
        %mul3A_203 = vector.broadcast %mul3A_202 : i32 to vector<16xi32>
        %mul3A_204 = arith.muli %add3A_201, %mul3A_203 : vector<16xi32>
        %gather3A = tpu.vector_load_idx %arg15[%mul3A_204] : memref<3072xf32, #tpu.memory_space<vmem>>[vector<16xi32>], vector<16xf32>,
        %mul3A_205 = arith.constant 3 : i32
        %mul3A_206 = vector.broadcast %mul3A_205 : i32 to vector<16xi32>
        %mul3A_207 = arith.muli %add3A_201, %mul3A_206 : vector<16xi32>
        %add3A_208 = arith.constant 1 : i32
        %add3A_209 = vector.broadcast %add3A_208 : i32 to vector<16xi32>
        %add3A_210 = arith.addi %mul3A_207, %add3A_209 : vector<16xi32>
        %gather3A_211 = tpu.vector_load_idx %arg15[%add3A_210] : memref<3072xf32, #tpu.memory_space<vmem>>[vector<16xi32>], vector<16xf32>,
        %mul3A_212 = arith.constant 3 : i32
        %mul3A_213 = vector.broadcast %mul3A_212 : i32 to vector<16xi32>
        %mul3A_214 = arith.muli %add3A_201, %mul3A_213 : vector<16xi32>
        %add3A_215 = arith.constant 2 : i32
        %add3A_216 = vector.broadcast %add3A_215 : i32 to vector<16xi32>
        %add3A_217 = arith.addi %mul3A_214, %add3A_216 : vector<16xi32>
        %gather3A_218 = tpu.vector_load_idx %arg15[%add3A_217] : memref<3072xf32, #tpu.memory_space<vmem>>[vector<16xi32>], vector<16xf32>,
        %add3A_219 = arith.constant 0 : i32
        %add3A_220 = arith.addi %add3A_219, %mul3A_199 : i32
        %get3A = arith.index_cast %add3A_220 : i32 to index
        %get3A_221 = tpu.vector_load %arg21[%get3A] {strides = array<i32>} : memref<9216xf32, #tpu.memory_space<vmem>>, vector<16xf32>,
        %mul3A_222 = arith.mulf %gather3A, %get3A_221 : vector<16xf32>
        %add3A_223 = arith.constant 3072 : i32
        %add3A_224 = arith.addi %add3A_223, %mul3A_199 : i32
        %get3A_225 = arith.index_cast %add3A_224 : i32 to index
        %get3A_226 = tpu.vector_load %arg21[%get3A_225] {strides = array<i32>} : memref<9216xf32, #tpu.memory_space<vmem>>, vector<16xf32>,
        %mul3A_227 = arith.mulf %gather3A_211, %get3A_226 : vector<16xf32>
        %add3A_228 = arith.addf %mul3A_222, %mul3A_227 : vector<16xf32>
        %add3A_229 = arith.constant 6144 : i32
        %add3A_230 = arith.addi %add3A_229, %mul3A_199 : i32
        %get3A_231 = arith.index_cast %add3A_230 : i32 to index
        %get3A_232 = tpu.vector_load %arg21[%get3A_231] {strides = array<i32>} : memref<9216xf32, #tpu.memory_space<vmem>>, vector<16xf32>,
        %mul3A_233 = arith.mulf %gather3A_218, %get3A_232 : vector<16xf32>
        %add3A_234 = arith.addf %add3A_228, %mul3A_233 : vector<16xf32>
        %add3A_235 = arith.constant 1024 : i32
        %add3A_236 = arith.addi %add3A_235, %mul3A_199 : i32
        %get3A_237 = arith.index_cast %add3A_236 : i32 to index
        %get3A_238 = tpu.vector_load %arg21[%get3A_237] {strides = array<i32>} : memref<9216xf32, #tpu.memory_space<vmem>>, vector<16xf32>,
        %mul3A_239 = arith.mulf %gather3A, %get3A_238 : vector<16xf32>
        %add3A_240 = arith.constant 4096 : i32
        %add3A_241 = arith.addi %add3A_240, %mul3A_199 : i32
        %get3A_242 = arith.index_cast %add3A_241 : i32 to index
        %get3A_243 = tpu.vector_load %arg21[%get3A_242] {strides = array<i32>} : memref<9216xf32, #tpu.memory_space<vmem>>, vector<16xf32>,
        %mul3A_244 = arith.mulf %gather3A_211, %get3A_243 : vector<16xf32>
        %add3A_245 = arith.addf %mul3A_239, %mul3A_244 : vector<16xf32>
        %add3A_246 = arith.constant 7168 : i32
        %add3A_247 = arith.addi %add3A_246, %mul3A_199 : i32
        %get3A_248 = arith.index_cast %add3A_247 : i32 to index
        %get3A_249 = tpu.vector_load %arg21[%get3A_248] {strides = array<i32>} : memref<9216xf32, #tpu.memory_space<vmem>>, vector<16xf32>,
        %mul3A_250 = arith.mulf %gather3A_218, %get3A_249 : vector<16xf32>
        %add3A_251 = arith.addf %add3A_245, %mul3A_250 : vector<16xf32>
        %add3A_252 = arith.constant 2048 : i32
        %add3A_253 = arith.addi %add3A_252, %mul3A_199 : i32
        %get3A_254 = arith.index_cast %add3A_253 : i32 to index
        %get3A_255 = tpu.vector_load %arg21[%get3A_254] {strides = array<i32>} : memref<9216xf32, #tpu.memory_space<vmem>>, vector<16xf32>,
        %mul3A_256 = arith.mulf %gather3A, %get3A_255 : vector<16xf32>
        %add3A_257 = arith.constant 5120 : i32
        %add3A_258 = arith.addi %add3A_257, %mul3A_199 : i32
        %get3A_259 = arith.index_cast %add3A_258 : i32 to index
        %get3A_260 = tpu.vector_load %arg21[%get3A_259] {strides = array<i32>} : memref<9216xf32, #tpu.memory_space<vmem>>, vector<16xf32>,
        %mul3A_261 = arith.mulf %gather3A_211, %get3A_260 : vector<16xf32>
        %add3A_262 = arith.addf %mul3A_256, %mul3A_261 : vector<16xf32>
        %add3A_263 = arith.constant 8192 : i32
        %add3A_264 = arith.addi %add3A_263, %mul3A_199 : i32
        %get3A_265 = arith.index_cast %add3A_264 : i32 to index
        %get3A_266 = tpu.vector_load %arg21[%get3A_265] {strides = array<i32>} : memref<9216xf32, #tpu.memory_space<vmem>>, vector<16xf32>,
        %mul3A_267 = arith.mulf %gather3A_218, %get3A_266 : vector<16xf32>
        %add3A_268 = arith.addf %add3A_262, %mul3A_267 : vector<16xf32>
        %get3A_269 = arith.index_cast %mul3A_199 : i32 to index
        %get3A_270 = tpu.vector_load %arg22[%get3A_269] {strides = array<i32>} : memref<1024xf32, #tpu.memory_space<vmem>>, vector<16xf32>,
        %get3A_271 = arith.index_cast %mul3A_199 : i32 to index
        %get3A_272 = tpu.vector_load %arg13[%get3A_271] {strides = array<i32>} : memref<1024xi32, #tpu.memory_space<vmem>>, vector<16xi32>,
        %ge3A = arith.constant 0 : i32
        %ge3A_273 = vector.broadcast %ge3A : i32 to vector<16xi32>
        %ge3A_274 = arith.cmpi sge, %get3A_272, %ge3A_273 : vector<16xi32>
        %add3A_275 = vector.broadcast %add3A_51 : i32 to vector<16xi32>
        %add3A_276 = arith.addi %add3A_275, %add3A_201 : vector<16xi32>
        %and3A_277 = arith.constant 511 : i32
        %and3A_278 = vector.broadcast %and3A_277 : i32 to vector<16xi32>
        %and3A_279 = arith.andi %add3A_276, %and3A_278 : vector<16xi32>
        %convert_element_type3A = arith.sitofp %and3A_279 : vector<16xi32> to vector<16xf32>
        %mul3A_280 = arith.constant 0.0039138943 : f32
        %mul3A_281 = vector.broadcast %mul3A_280 : f32 to vector<16xf32>
        %mul3A_282 = arith.mulf %convert_element_type3A, %mul3A_281 : vector<16xf32>
        %sub3A_283 = arith.constant 1.000000e+00 : f32
        %sub3A_284 = vector.broadcast %sub3A_283 : f32 to vector<16xf32>
        %sub3A_285 = arith.subf %mul3A_282, %sub3A_284 : vector<16xf32>
        %shift_right_arithmetic3A = arith.constant 9 : i32
        %shift_right_arithmetic3A_286 = vector.broadcast %shift_right_arithmetic3A : i32 to vector<16xi32>
        %shift_right_arithmetic3A_287 = arith.shrsi %add3A_276, %shift_right_arithmetic3A_286 : vector<16xi32>
        %and3A_288 = arith.constant 511 : i32
        %and3A_289 = vector.broadcast %and3A_288 : i32 to vector<16xi32>
        %and3A_290 = arith.andi %shift_right_arithmetic3A_287, %and3A_289 : vector<16xi32>
        %convert_element_type3A_291 = arith.sitofp %and3A_290 : vector<16xi32> to vector<16xf32>
        %mul3A_292 = arith.constant 0.0039138943 : f32
        %mul3A_293 = vector.broadcast %mul3A_292 : f32 to vector<16xf32>
        %mul3A_294 = arith.mulf %convert_element_type3A_291, %mul3A_293 : vector<16xf32>
        %sub3A_295 = arith.constant 1.000000e+00 : f32
        %sub3A_296 = vector.broadcast %sub3A_295 : f32 to vector<16xf32>
        %sub3A_297 = arith.subf %mul3A_294, %sub3A_296 : vector<16xf32>
        %broadcast_in_dim3A_298 = arith.constant 0.000000e+00 : f32
        %broadcast_in_dim3A_299 = vector.broadcast %broadcast_in_dim3A_298 : f32 to vector<16xf32>
        %broadcast_in_dim3A_300 = arith.constant 1.000000e+00 : f32
        %broadcast_in_dim3A_301 = vector.broadcast %broadcast_in_dim3A_300 : f32 to vector<16xf32>
        %select_n3A_302 = arith.select %ge3A_274, %add3A_234, %broadcast_in_dim3A_299 : vector<16xi1>, vector<16xf32>
        %add3A_303 = arith.addf %select_n3A_302, %sub3A_285 : vector<16xf32>
        %select_n3A_304 = arith.select %ge3A_274, %add3A_251, %broadcast_in_dim3A_299 : vector<16xi1>, vector<16xf32>
        %add3A_305 = arith.addf %select_n3A_304, %sub3A_297 : vector<16xf32>
        %select_n3A_306 = arith.select %ge3A_274, %add3A_268, %broadcast_in_dim3A_299 : vector<16xi1>, vector<16xf32>
        %gt3A = arith.constant 5.000000e-01 : f32
        %gt3A_307 = vector.broadcast %gt3A : f32 to vector<16xf32>
        %gt3A_308 = arith.cmpf ogt, %get3A_270, %gt3A_307 : vector<16xf32>
        %and3A_309 = arith.andi %ge3A_274, %gt3A_308 : vector<16xi1>
        %select_n3A_310 = arith.select %and3A_309, %broadcast_in_dim3A_301, %broadcast_in_dim3A_299 : vector<16xi1>, vector<16xf32>
        %mul3A_311 = arith.constant 4 : i32
        %mul3A_312 = vector.broadcast %mul3A_311 : i32 to vector<16xi32>
        %mul3A_313 = arith.muli %add3A_201, %mul3A_312 : vector<16xi32>
        %add3A_314 = arith.constant 0 : i32
        %add3A_315 = vector.broadcast %add3A_314 : i32 to vector<16xi32>
        %add3A_316 = arith.addi %mul3A_313, %add3A_315 : vector<16xi32>
        tpu.vector_store_idx %arg23[%add3A_316], %add3A_303 : memref<4096xf32, #tpu.memory_space<vmem>>[vector<16xi32>], vector<16xf32>,
        %add3A_317 = arith.constant 1 : i32
        %add3A_318 = vector.broadcast %add3A_317 : i32 to vector<16xi32>
        %add3A_319 = arith.addi %mul3A_313, %add3A_318 : vector<16xi32>
        tpu.vector_store_idx %arg23[%add3A_319], %add3A_305 : memref<4096xf32, #tpu.memory_space<vmem>>[vector<16xi32>], vector<16xf32>,
        %add3A_320 = arith.constant 2 : i32
        %add3A_321 = vector.broadcast %add3A_320 : i32 to vector<16xi32>
        %add3A_322 = arith.addi %mul3A_313, %add3A_321 : vector<16xi32>
        tpu.vector_store_idx %arg23[%add3A_322], %select_n3A_306 : memref<4096xf32, #tpu.memory_space<vmem>>[vector<16xi32>], vector<16xf32>,
        %add3A_323 = arith.constant 3 : i32
        %add3A_324 = vector.broadcast %add3A_323 : i32 to vector<16xi32>
        %add3A_325 = arith.addi %mul3A_313, %add3A_324 : vector<16xi32>
        tpu.vector_store_idx %arg23[%add3A_325], %select_n3A_310 : memref<4096xf32, #tpu.memory_space<vmem>>[vector<16xi32>], vector<16xf32>,
        %scan3A_326 = arith.constant 0 : i32
        scf.yield %scan3A_326 : i32
      }
      %scan3A_192 = arith.constant 64 : i32
      %mul3A_193 = arith.constant 4 : i32
      %mul3A_194 = arith.muli %add3A_51, %mul3A_193 : i32
      "tpu.region"() ({
        %run_scoped3A = tpu.sem_alloc : memref<!tpu.dma_semaphore, #tpu.memory_space<semaphore_mem>>
        %dma_start3A_196 = tpu.memref_slice %arg9[%mul3A_194] : memref<4194304xf32, #tpu.memory_space<hbm>> -> memref<4096xf32, #tpu.memory_space<hbm>>
        %dma_start3A_197 = tpu.memref_slice %arg9[%mul3A_194] : memref<4194304xf32, #tpu.memory_space<hbm>> -> memref<4096xf32, #tpu.memory_space<hbm>>
        tpu.enqueue_dma source(%arg23 : memref<4096xf32, #tpu.memory_space<vmem>>) target(%dma_start3A_197 : memref<4096xf32, #tpu.memory_space<hbm>>) target_semaphore(%run_scoped3A : memref<!tpu.dma_semaphore, #tpu.memory_space<semaphore_mem>>)
        %dma_wait3A_198 = tpu.memref_slice %arg9[%mul3A_194] : memref<4194304xf32, #tpu.memory_space<hbm>> -> memref<4096xf32, #tpu.memory_space<hbm>>
        %dma_wait3A_199 = tpu.memref_slice %arg9[%mul3A_194] : memref<4194304xf32, #tpu.memory_space<hbm>> -> memref<4096xf32, #tpu.memory_space<hbm>>
        tpu.wait_dma2 semaphore(%run_scoped3A : memref<!tpu.dma_semaphore, #tpu.memory_space<semaphore_mem>>) src(%arg23 : memref<4096xf32, #tpu.memory_space<vmem>>) dst(%dma_wait3A_199 : memref<4096xf32, #tpu.memory_space<hbm>>)
        tpu.yield
      }) : () -> ()
      %scan3A_195 = arith.constant 0 : i32
      scf.yield %scan3A_195 : i32
    }
    %scan3A_44 = arith.constant 32 : i32
    return
  }
}

</mosaic_0001>

<sc_bundles>
// kernel: kernel.3.cloned.1.call-start
scs
__scs_entry_jumppad:
0x0: {  	(pc) =	sbr.rel $0x88, $3  }
0x1: {  	(tag) =	ssettag $0x0;
	lr =	simm.s32 $0x1  }
0x2: {  	[smem:$0x3F9B] =	sst lr;
	_ =	strace $0xD0000000  }
0x3: {  	_ = 	snop  }
0x4: {  	_ = 	snop  }
0x5: {  	_ = 	snop  }
0x6: {  	_ = 	snop  }
0x7: {  	_ = 	snop  }
__scs_overlays_trampoline_lowered:
0x8: {  	[smem:$0x3FAA] =	sst s0  }
0x9: {  	[smem:$0x3FAB] =	sst s1  }
0xa: {  	[smem:$0x3FAC] =	sst s2  }
0xb: {  	[smem:$0x3FAD] =	sst s3  }
0xc: {  	[smem:$0x3FAE] =	sst s4  }
0xd: {  	[smem:$0x3FAF] =	sst s5  }
0xe: {  	[smem:$0x3FB0] =	sst s6  }
0xf: {  	[smem:$0x3FB1] =	sst s7  }
0x10: {  	[smem:$0x3FB2] =	sst s8  }
0x11: {  	[smem:$0x3FB3] =	sst s9;
	s0 =	simm.s32 @!p0 $0x0  }
0x12: {  	s1 =	sld [smem:$0x3F99];
	s0 =	simm.s32 @p0 $0x1  }
0x13: {  	[smem:$0x3FB4] =	sst s0;
	s0 =	simm.s32 @!p1 $0x0  }
0x14: {  	s2 =	sld [smem:$0x3F98];
	s0 =	simm.s32 @p1 $0x1  }
0x15: {  	[smem:$0x3FB5] =	sst s0;
	s0 =	simm.s32 @!p2 $0x0  }
0x16: {  	s3 =	sld [smem:$0x3FDB];
	s0 =	simm.s32 @p2 $0x1  }
0x17: {  	s4 =	simm.s32 $0x1BF5;
	[smem:$0x3FB7] =	sst s0  }
0x18: {  	s0 =	sld [smem:$0x3F9A];
	_ =	swait.ge [sflag:s4], $0x0  }
0x19: {  	s7 =	sld [smem:$0x3F9B]  }
0x1a: {  	s8 =	sadd.s32 $0xFFFFE003, lr  }
0x1b: {  	s9 =	sadd.s32 $0xFFFFFEF7, lr;
	s5 =	simm.s32 $0xFFFFFFFF;
	p2 =	slt.u32 s8, $0xFFFFF086  }
0x1c: {  	p1 =	slt.u32 s9, $0xF7A;
	s5 =	simm.s32 @!p2 $0x0  }
0x1d: {  	s5 =	simm.s32 @p1 $0x1;
	p0 =	seq.s32 s7, s2  }
0x1e: {  	s7 =	smul.u32 @!p0 $0xF7A, s2;
	p2 =	seq.s32 @!p0 s5, $0x0  }
0x1f: {  	s9 =	smul.u32 $0xF7A, s1;
	s8 =	simm.s32 @!p0 $0x1BF5;
	p2 =	por !p2, p0  }
0x20: {  	[sflag:s8] =	ssyncset.s32 @!p0 $0xFFFFF086;
	s6 =	sadd.s32 @!p0 s3, s7;
	s7 =	simm.s32 @!p0 $0x108  }
0x21: {  	s3 =	sadd.s32 s3, s9;
	s6 =	sadd.s32 @!p0 $0x88, s6;
	s7 =	simm.s32 @p2 $0x1082  }
0x22: {  	[simem:s7], [sflag:s8] =	dma.local @!p0 [hbm:s6], $0xF7A  }
0x23: {  	s9 =	sor.u32 $0xD0000000, s2;
	s6 =	simm.s32 $0x108;
	_ =	swait.ge @!p0 [sflag:s8], $0x0  }
0x24: {  	s3 =	sadd.s32 $0x88, s3;
	s6 =	simm.s32 @!p1 $0x1082;
	[sflag:s4] =	ssyncset.s32 $0xFFFFF086  }
0x25: {  	[simem:s6], [sflag:s4] =	dma.local [hbm:s3], $0xF7A  }
0x26: {  	[smem:$0x3F9B] =	sst s1;
	(tag) =	ssettag s2;
	_ =	strace s9  }
0x27: {  	s1 =	sld [smem:$0x3FAB]  }
0x28: {  	s2 =	sld [smem:$0x3FAC]  }
0x29: {  	s4 =	sld [smem:$0x3FAE]  }
0x2a: {  	p0 =	seq.s32 s5, $0x0;
	s5 =	sld [smem:$0x3FAF]  }
0x2b: {  	s6 =	sld [smem:$0x3FB0]  }
0x2c: {  	s7 =	sld [smem:$0x3FB1]  }
0x2d: {  	s3 =	simm.s32 $0x108;
	s8 =	sld [smem:$0x3FB2]  }
0x2e: {  	s3 =	simm.s32 @!p0 $0x1082;
	s9 =	sld [smem:$0x3FB3]  }
0x2f: {  	lr =	sadd.s32 s0, s3;
	s0 =	sld [smem:$0x3FAA]  }
0x30: {  	s3 =	sld [smem:$0x3FAD]  }
0x31: {  	[smem:$0x3FB6] =	sst s10  }
0x32: {  	s10 =	sld [smem:$0x3FB4];
	_ =	sdelay $0x3  }
0x33: {  	p0 =	seq.s32 s10, $0x1;
	s10 =	sld [smem:$0x3FB6];
	_ =	sdelay $0x3  }
0x34: {  	[smem:$0x3FB6] =	sst s10  }
0x35: {  	s10 =	sld [smem:$0x3FB5];
	_ =	sdelay $0x3  }
0x36: {  	p1 =	seq.s32 s10, $0x1;
	s10 =	sld [smem:$0x3FB6];
	_ =	sdelay $0x3  }
0x37: {  	[smem:$0x3FB6] =	sst s10  }
0x38: {  	s10 =	sld [smem:$0x3FB7]  }
0x39: {  	_ = 	snop;
	(pc) =	sbr.ind lr, $3  }
0x3a: {  	_ = 	snop  }
0x3b: {  	_ = 	snop  }
0x3c: {  	p2 =	seq.s32 s10, $0x1;
	s10 =	sld [smem:$0x3FB6]  }
0x3d: {  	_ =	shalt  }
0x3e: {  	_ =	shalt  }
0x3f: {  	_ =	shalt  }
0x40: {  	_ =	shalt  }
0x41: {  	_ =	shalt  }
0x42: {  	_ =	shalt  }
0x43: {  	_ =	shalt  }
0x44: {  	_ =	shalt  }
0x45: {  	_ =	shalt  }
0x46: {  	_ =	shalt  }
0x47: {  	_ =	shalt  }
0x48: {  	_ =	shalt  }
0x49: {  	_ =	shalt  }
0x4a: {  	_ =	shalt  }
0x4b: {  	_ =	shalt  }
0x4c: {  	_ =	shalt  }
0x4d: {  	_ =	shalt  }
0x4e: {  	_ =	shalt  }
0x4f: {  	_ =	shalt  }
0x50: {  	_ =	shalt  }
0x51: {  	_ =	shalt  }
0x52: {  	_ =	shalt  }
0x53: {  	_ =	shalt  }
0x54: {  	_ =	shalt  }
0x55: {  	_ =	shalt  }
0x56: {  	_ =	shalt  }
0x57: {  	_ =	shalt  }
0x58: {  	_ =	shalt  }
0x59: {  	_ =	shalt  }
0x5a: {  	_ =	shalt  }
0x5b: {  	_ =	shalt  }
0x5c: {  	_ =	shalt  }
0x5d: {  	_ =	shalt  }
0x5e: {  	_ =	shalt  }
0x5f: {  	_ =	shalt  }
0x60: {  	_ =	shalt  }
0x61: {  	_ =	shalt  }
0x62: {  	_ =	shalt  }
0x63: {  	_ =	shalt  }
0x64: {  	_ =	shalt  }
0x65: {  	_ =	shalt  }
0x66: {  	_ =	shalt  }
0x67: {  	_ =	shalt  }
0x68: {  	_ =	shalt  }
0x69: {  	_ =	shalt  }
0x6a: {  	_ =	shalt  }
0x6b: {  	_ =	shalt  }
0x6c: {  	_ =	shalt  }
0x6d: {  	_ =	shalt  }
0x6e: {  	_ =	shalt  }
0x6f: {  	_ =	shalt  }
0x70: {  	_ =	shalt  }
0x71: {  	_ =	shalt  }
0x72: {  	_ =	shalt  }
0x73: {  	_ =	shalt  }
0x74: {  	_ =	shalt  }
0x75: {  	_ =	shalt  }
0x76: {  	_ =	shalt  }
0x77: {  	_ =	shalt  }
0x78: {  	_ =	shalt  }
0x79: {  	_ =	shalt  }
0x7a: {  	_ =	shalt  }
0x7b: {  	_ =	shalt  }
0x7c: {  	_ =	shalt  }
0x7d: {  	_ =	shalt  }
0x7e: {  	_ =	shalt  }
0x7f: {  	_ =	shalt  }
0x80: {  	_ =	shalt  }
0x81: {  	_ =	shalt  }
0x82: {  	_ =	shalt  }
0x83: {  	_ =	shalt  }
0x84: {  	_ =	shalt  }
0x85: {  	_ =	shalt  }
0x86: {  	_ =	shalt  }
0x87: {  	_ =	shalt  }
.Lfunc_end0:
.L_simem_size_0:
called_computation_lowered:
.L_overlay_start_0:
0x88: {  	s2 =	sld [smem:$0x3FD9]  }
0x89: {  	s3 =	sld [smem:$0x3FFE];
	_ =	sdelay $0x1  }
0x8a: {  	s1 =	srdreg.scid  }
0x8b: {  	s0 =	sand.u32 $0x1, s1  }
0x8c: {  	s17 =	sshll.u32 s0, $0xA;
	s2 =	sadd.s32 s3, s2  }
0x8d: {  	s2 =	sadd.s32 s2, s17  }
0x8e: {  	[smem:$0x3FC2] =	sst s2  }
0x8f: {  	_ = 	snop  }
0x90: {  	s2 =	sld [smem:$0x3FC6]  }
0x91: {  	s18 =	sld [smem:$0x3FC5]  }
0x92: {  	s4 =	sld [smem:$0x3FD0];
	(tm) =	ssettm $0x1  }
0x93: {  	s5 =	sld [smem:$0x3FFB];
	_ =	sdelay $0x3  }
0x94: {  	_ =	strace s5  }
0x95: {  	s5 =	sld [smem:$0x3FFC];
	_ =	sdelay $0x3  }
0x96: {  	_ =	strace s5  }
0x97: {  	s5 =	sld [smem:$0x3FFD];
	_ =	sdelay $0x3  }
0x98: {  	_ =	strace s5  }
0x99: {  	_ =	strace $0x8FFFFFFF  }
0x9a: {  	s19 =	sld [smem:$0x3FDB];
	_ =	sdelay $0x1  }
0x9b: {  	s6 =	simm.s32 $_scs_section_size  }
0x9c: {  	s7 =	simm.s32 $_size__tile_overlayer_lowered;
	s8 =	simm.s32 $_tile_overlayer_lowered  }
0x9d: {  	s22 =	simm.s32 $0x1BFF;
	s21 =	sshll.u32 s8, $0x1;
	s5 =	sadd.s32 s6, s19  }
0x9e: {  	s9 =	simm.s32 $0x0;
	s20 =	sshll.u32 s7, $0x1;
	s7 =	sadd.s32 s21, s5  }
0x9f: {  	[timem:s9], [sflag:s22] =	dma.local [hbm:s7], s20  }
0xa0: {  	_ =	swait.ge [sflag:s22], s20  }
0xa1: {  	s6 =	ssub.s32 $0x0, s20;
	[sflag:s22] =	ssyncset.done $0x0  }
0xa2: {  	[sflag:s22] =	ssyncadd.s32 s6;
	_ =	sdelay $0x1  }
0xa3: {  	s23 =	simm.s32 $0x1B8B  }
0xa4: {  	_ =	swait.ge [sflag:s23], $0x1  }
0xa5: {  	[sflag:s23] =	ssyncset.done $0x0  }
0xa6: {  	s25 =	simm.s32 $0x1B8E;
	s24 =	sld [smem:$0x3FFE];
	[sflag:s23] =	ssyncadd.s32 $0xFFFFFFFF  }
0xa7: {  	s26 =	simm.s32 $execute0_lowered;
	[smem:$0x3FD2] =	sst s25  }
0xa8: {  	s7 =	sshll.u32 s26, $0x1;
	_ =	strace $0x80000046;
	[dreg:$0x1] =	wrdreg $0xFFFFFFFF  }
0xa9: {  	s28 =	simm.s32 $_size_execute0_lowered;
	s5 =	sadd.s32 s5, s7;
	[dreg:$0x0] =	wrdreg $0x0  }
0xaa: {  	s7 =	sshll.u32 s28, $0x1;
	[dreg:$0x2] =	wrdreg s5  }
0xab: {  	[dreg:$0x3] =	wrdreg s7  }
0xac: {  	[dreg:$0x4] =	wrdreg $0xC0  }
0xad: {  	_ =	task [dreg:s9], $0x5FFFF  }
0xae: {  	[dreg:$0x1] =	wrdreg $0xFFFFFFFF  }
0xaf: {  	[dreg:$0x0] =	wrdreg $0x60  }
0xb0: {  	[dreg:$0x2] =	wrdreg s24  }
0xb1: {  	[dreg:$0x3] =	wrdreg s2  }
0xb2: {  	[dreg:$0x4] =	wrdreg s18  }
0xb3: {  	[dreg:$0x5] =	wrdreg s4  }
0xb4: {  	[dreg:$0x6] =	wrdreg $0x15FC00  }
0xb5: {  	[dreg:$0x7] =	wrdreg $0xCD400  }
0xb6: {  	[dreg:$0x8] =	wrdreg $0x9  }
0xb7: {  	_ =	task.clear_ibuf [dreg:s9], $0x9FFFF;
	_ =	strace $0x90000046  }
0xb8: {  	s29 =	simm.s32 $0x9;
	_ =	strace $0x80000048  }
0xb9: {  	_ =	swait.ge [sflag:s29], $0x1  }
0xba: {  	[sflag:s29] =	ssyncadd.s32 $0xFFFFFFFF  }
0xbb: {  	_ =	strace $0x90000048  }
0xbc: {  	_ =	sfence  }
0xbd: {  	s30 =	sld [smem:$0x0];
	_ =	sdelay $0x2  }
0xbe: {  	s31 =	sshll.u32 s1, $0xD;
	s1 =	sshrl.u32 s1, $0x2  }
0xbf: {  	s3 =	sand.u32 $0x4000, s31;
	s1 =	sadd.s32 s1, s30  }
0xc0: {  	s0 =	sor.u32 s3, s0;
	s1 =	sshll.u32 s1, $0x11  }
0xc1: {  	s0 =	sor.u32 s1, s0  }
0xc2: {  	s0 =	sadd.s32 $0x8F2B, s0  }
0xc3: {  	[sflag:s0] =	ssyncadd.remote.s32 $0x1  }
0xc4: {  	_ =	sfence.sel $0xFFFF  }
0xc5: {  	[dreg:$0x0] =	wrdreg $0xFFFFFFFF;
	(pc) =	sbr.abs _section_cstart, $3  }
0xc6: {  	[dreg:$0x1] =	wrdreg $0xFFFFFFFF  }
0xc7: {  	_ =	task.clear_ibuf [dreg:s9], $0x2FFFF;
	_ =	strace $0x9FFFFFFF  }
0xc8: {  	(tm) =	ssettm $0x7FFFFFFF  }
0xc9: {  	_ =	shalt  }
tec
execute0_lowered:
.L_overlay_start_1:
0x0: {  	(tag) =	ssettag $0x1  }
0x1: {  	s0 =	rddreg [dreg:$0x0]  }
0x2: {  	s1 =	rddreg [dreg:$0x1]  }
0x3: {  	s3 =	rddreg [dreg:$0x4]  }
0x4: {  	s4 =	rddreg [dreg:$0x5];
	s2 =	simm.s32 $0x0  }
0x5: {  	s20 =	srdreg.scid;
	s13 =	stileid.u32;
	s18 =	simm.s32 $0x2  }
0x6: {  	s30 =	simm.s32 $0x1;
	s28 =	simm.s32 $0xB140;
	s29 =	simm.s32 $0x9140  }
0x7: {  	s31 =	simm.s32 $0xB540;
	[smem:$0x7FF] =	sst s2;
	s7 =	sadd.s32 $0x381000, s0  }
0x8: {  	s2 =	sand.u32 $0x1, s20;
	s8 =	sadd.s32 $0x36EA00, s0;
	s9 =	sadd.s32 $0x61BE00, s0  }
0x9: {  	s6 =	smul.u32 $0x19000, s13;
	s10 =	sadd.s32 $0x1600, s0;
	s0 =	sadd.s32 $0x393600, s0  }
0xa: {  	s23 =	sshll.u32 s13, $0x6;
	s24 =	sshll.u32 s13, $0x2;
	s25 =	smul.u32 $0x927C, s13  }
0xb: {  	s12 =	sshll.u32 s13, $0xD;
	s15 =	sshll.u32 s13, $0xF;
	s20 =	simm.s32 $0x4D40  }
0xc: {  	_ =	strace $0x80000047;
	s5 =	ssub.s32 $0x2, s2;
	[dreg:$0x7] =	wrdreg s0  }
0xd: {  	s2 =	sshll.u32 s2, $0x13;
	s14 =	sadd.s32 s1, s12;
	s12 =	simm.s32 $0x24A0  }
0xe: {  	s11 =	sshrl.u32 s5, $0x1;
	s22 =	sshrl.u32 s6, $0x2;
	s6 =	sor.u32 $0x1C02, s23  }
0xf: {  	s15 =	sor.u32 s15, s2;
	s2 =	simm.s32 $0x0;
	s21 =	ssub.s32 s5, s11  }
0x10: {  	s5 =	sadd.s32 s22, s3;
	[dreg:$0x8] =	wrdreg s6;
	s11 =	sand.u32 $0x4, s24  }
0x11: {  	s22 =	simm.s32 $0x5140;
	s24 =	simm.s32 $0x5540;
	s0 =	smax.u32 s21, $0x1  }
0x12: {  	s13 =	ssub.s32 s25, s11;
	s26 =	sshrl.u32 s5, $0x3;
	[dreg:$0x9] =	wrdreg s0  }
0x13: {  	v0 =	vimm.f32 $1.000000000e+00;
	v1 =	vlaneseq.u32;
	v2 =	vimm.f32 $0.0e+00;
	s21 =	simm.s32 $0x400;
	[dreg:$0xa] =	wrdreg s26;
	s0 =	simm.s32 $0xBD40  }
.LBB2_1:
0x14: {  	[dreg:$0xb] =	wrdreg s2  }
0x15: {  	s1 =	rddreg [dreg:$0x7]  }
0x16: {  	s26 =	rddreg [dreg:$0x8]  }
0x17: {  	s5 =	rddreg [dreg:$0xa]  }
0x18: {  	[spmem:s5], [sflag:s26] =	dma.local [hbm:s1], $0xC80  }
0x19: {  	_ =	swait.ge [sflag:s18], $0xC80  }
0x1a: {  	[sflag:s18] =	ssyncset.done $0x0  }
0x1b: {  	s1 =	simm.s32 $0x0;
	[sflag:s18] =	ssyncadd.s32 $0xFFFFF380  }
.LBB2_2:
0x1c: {  	s2 =	smul.u32 $0x24A0, s1;
	_ =	sdelay $0x1  }
0x1d: {  	s2 =	sadd.s32 s13, s2  }
0x1e: {  	s5 =	sshrl.u32 s2, $0x3  }
0x1f: {  	s11 =	simm.s32 $0x0;
	s6 =	sadd.s32 s7, s5  }
0x20: {  	[tilespmem:s11], [sflag:$0x2] =	stream.linear.gather [hbm4b:s6+s11], $0x24A0, $0x38;
	[tilespmem:$0x1C3C8] =	vst v63  }
0x21: {  	_ =	swait.ge [sflag:s18], $0x24A0  }
0x22: {  	[sflag:s18] =	ssyncset.done $0x0  }
0x23: {  	s5 =	sadd.s32 s8, s5;
	[sflag:s18] =	ssyncadd.s32 $0xFFFFDB60  }
0x24: {  	[tilespmem:s12], [sflag:$0x2] =	stream.linear.gather [hbm4b:s5+s11], $0x24A0, $0x38;
	[tilespmem:$0x1C3C8] =	vst v63  }
0x25: {  	_ =	swait.ge [sflag:s18], $0x24A0  }
0x26: {  	[sflag:s18] =	ssyncset.done $0x0  }
0x27: {  	s5 =	simm.s32 $0x0;
	[sflag:s18] =	ssyncadd.s32 $0xFFFFDB60  }
0x28: {  	s6 =	simm.s32 $0x40;
	v3 =	vld [tilespmem:s5+$0x24A0]  }
.LBB2_3:
0x29: {  	p0 =	sne.s32 s6, $0x9240;
	v4 =	vld [tilespmem:s5+$0x0];
	_ =	sdelay $0x2  }
.Ltmp0:
0x2a: {  	(pc) =	sbr.rel @p0 .LBB2_3-.Ltmp0, $4  }
0x2b: {  	_ = 	snop  }
0x2c: {  	v4 =	vsub.f32 v3, v4  }
0x2d: {  	s11 =	sshra.s32 s6, $0x2  }
0x2e: {  	s6 =	sadd.s32 $0x40, s6;
	v3 =	vld [tilespmem:s11+$0x24A0];
	[tilespmem:s5+$0x0] =	vst v4;
	s5 =	smov.u32 s11  }
0x2f: {  	v4 =	vld [tilespmem:s5+$0x0];
	_ =	sdelay $0x4  }
0x30: {  	s1 =	sadd.s32 $0x1, s1;
	v3 =	vsub.f32 v3, v4  }
0x31: {  	s2 =	sand.u32 $0xFFFFFFF8, s2;
	p0 =	sne.s32 s1, $0x4  }
.Ltmp1:
0x32: {  	s26 =	simm.s32 $0x0;
	s2 =	sadd.s32 s2, s4;
	[tilespmem:s5+$0x0] =	vst v3;
	(pc) =	sbr.rel @p0 .LBB2_2-.Ltmp1, $4  }
0x33: {  	[spmem:s2] =	stream.linear.scatter [tilespmem:s26], [sflag:$0x2], $0x24A0, $0x38;
	[tilespmem:$0x1C3C8] =	vst v63  }
0x34: {  	_ =	swait.ge [sflag:s18], $0x24A0  }
0x35: {  	[sflag:s18] =	ssyncset.done $0x0  }
0x36: {  	[sflag:s18] =	ssyncadd.s32 $0xFFFFDB60  }
0x37: {  	s1 =	simm.s32 $0x40;
	s2 =	simm.s32 $0x0  }
.LBB2_6:
0x38: {  	p0 =	sne.s32 s1, $0xFC0;
	[tilespmem:s2+$0x4940] =	vst v0;
	s2 =	smov.u32 s1;
	s1 =	sadd.s32 $0x40, s1  }
.Ltmp2:
0x39: {  	(pc) =	sbr.rel @p0 .LBB2_6-.Ltmp2, $2  }
0x3a: {  	_ =	sdelay $0x2  }
0x3b: {  	s2 =	sshra.s32 s2, $0x2  }
0x3c: {  	[tilespmem:s2+$0x4940] =	vst v0;
	s1 =	simm.s32 $0x0  }
0x3d: {  	s2 =	simm.s32 $0x0;
	s12 =	simm.s32 $0x4940;
	[bflag:$0x0] =	sbarrier.arrive $0xFFFF  }
.LBB2_8:
0x3e: {  	s5 =	sshll.u32 s2, $0x7  }
0x3f: {  	s5 =	sadd.s32 s5, s14  }
0x40: {  	[tilespmem:s20], [sflag:$0x2] =	stream.linear.gather [hbm4b:s5+s1], $0x400, $0x38;
	[tilespmem:$0x1C3C8] =	vst v63  }
0x41: {  	_ =	swait.ge [sflag:s18], $0x400  }
0x42: {  	[sflag:s18] =	ssyncset.done $0x0  }
0x43: {  	s5 =	simm.s32 $0x0;
	[sflag:s18] =	ssyncadd.s32 $0xFFFFFC00  }
0x44: {  	v3 =	vld [tilespmem:s5+$0x4D40]  }
0x45: {  	s6 =	simm.s32 $0x40  }
.LBB2_9:
0x46: {  	p0 =	sne.s32 s6, $0xFC0  }
.Ltmp3:
0x47: {  	_ = 	snop;
	(pc) =	sbr.rel @p0 .LBB2_9-.Ltmp3, $4  }
0x48: {  	_ = 	snop  }
0x49: {  	s11 =	sshra.s32 s6, $0x2;
	s6 =	sadd.s32 $0x40, s6;
	vm0 =	vlt.s32 v3, $0x0  }
0x4a: {  	v4 =	vsel vm0, $0x64000, v3;
	v3 =	vld [tilespmem:s11+$0x4D40]  }
0x4b: {  	[tilespmem:s5+$0x5140] =	vst v4;
	s5 =	smov.u32 s11  }
0x4c: {  	_ =	sdelay $0x2  }
0x4d: {  	s2 =	sadd.s32 $0x1, s2;
	vm0 =	vlt.s32 v3, $0x0  }
0x4e: {  	p0 =	sne.s32 s2, $0x40;
	v3 =	vsel vm0, $0x64000, v3  }
.Ltmp4:
0x4f: {  	[tilespmem:s5+$0x5140] =	vst v3;
	(pc) =	sbr.rel @p0 .LBB2_8-.Ltmp4, $4  }
0x50: {  	[spmem:s3] =	stream.indirect.scatter.add.f32 [tilespmem:s12], [sflag:$0x2], $0x1, s22, s21, $0xb8;
	[tilespmem:$0x1C3C8] =	vst v63  }
0x51: {  	_ =	swait.ge [sflag:s18], $0x400  }
0x52: {  	[sflag:s18] =	ssyncset.done $0x0  }
0x53: {  	[sflag:s18] =	ssyncadd.s32 $0xFFFFFC00  }
0x54: {  	[bflag:$0x0] =	sbarrier.arrive $0xFFFF;
	s6 =	simm.s32 $0x0;
	s11 =	simm.s32 $0x0  }
.LBB2_12:
0x55: {  	s1 =	sshll.u32 s11, $0xA  }
0x56: {  	s12 =	sadd.s32 s15, s1  }
0x57: {  	s2 =	rddreg [dreg:$0x2];
	s1 =	sshrl.u32 s12, $0x3  }
0x58: {  	s26 =	smul.u32 $0x3, s12;
	s1 =	sadd.s32 s2, s1  }
0x59: {  	[tilespmem:s20], [sflag:$0x2] =	stream.linear.gather [hbm4b:s1+s6], $0x400, $0x38;
	[tilespmem:$0x1C3C8] =	vst v63  }
0x5a: {  	_ =	swait.ge [sflag:s18], $0x400  }
0x5b: {  	s1 =	sshrl.u32 s26, $0x3;
	[sflag:s18] =	ssyncset.done $0x0  }
0x5c: {  	s1 =	sadd.s32 s10, s1;
	[sflag:s18] =	ssyncadd.s32 $0xFFFFFC00  }
0x5d: {  	[tilespmem:s24], [sflag:$0x2] =	stream.linear.gather [hbm4b:s1+s6], $0xC00, $0x38;
	[tilespmem:$0x1C3C8] =	vst v63  }
0x5e: {  	_ =	swait.ge [sflag:s18], $0xC00  }
0x5f: {  	[sflag:s18] =	ssyncset.done $0x0  }
0x60: {  	s1 =	simm.s32 $0x0;
	[sflag:s18] =	ssyncadd.s32 $0xFFFFF400  }
0x61: {  	v3 =	vld [tilespmem:s1+$0x4D40];
	_ =	sdelay $0x2  }
0x62: {  	s2 =	simm.s32 $0x40  }
.LBB2_13:
0x63: {  	p0 =	sne.s32 s2, $0xFC0  }
.Ltmp5:
0x64: {  	s5 =	sshra.s32 s2, $0x2;
	s2 =	sadd.s32 $0x40, s2;
	vm0 =	vgt.s32 v3, $0x0;
	(pc) =	sbr.rel @p0 .LBB2_13-.Ltmp5, $4  }
0x65: {  	v4 =	vnsel vm0, $0x0, v3;
	v3 =	vld [tilespmem:s5+$0x4D40]  }
0x66: {  	[tilespmem:s1+$0x5140] =	vst v4;
	v4 =	vshll.u32 v4, $0x1  }
0x67: {  	[tilespmem:s1+$0x6140] =	vst v4;
	v4 =	vor.u32 $0x1, v4  }
0x68: {  	[tilespmem:s1+$0x6540] =	vst v4;
	s1 =	smov.u32 s5  }
0x69: {  	_ = 	snop  }
0x6a: {  	vm0 =	vgt.s32 v3, $0x0  }
0x6b: {  	v3 =	vnsel vm0, $0x0, v3  }
0x6c: {  	[tilespmem:s1+$0x5140] =	vst v3;
	v3 =	vshll.u32 v3, $0x1  }
0x6d: {  	[tilespmem:s1+$0x6140] =	vst v3;
	v3 =	vor.u32 $0x1, v3  }
0x6e: {  	s23 =	simm.s32 $0x6140;
	s2 =	simm.s32 $0x6940;
	[tilespmem:s1+$0x6540] =	vst v3  }
0x6f: {  	[tilespmem:s2], [sflag:$0x1] =	stream.indirect.gather [hbm4b:s9+s21], $0x1, s23, s21, $0xb8;
	[tilespmem:$0x1C3C8] =	vst v63  }
0x70: {  	s25 =	simm.s32 $0x6540;
	s26 =	simm.s32 $0x6D40  }
0x71: {  	[tilespmem:s26], [sflag:$0x1] =	stream.indirect.gather [hbm4b:s9+s21], $0x1, s25, s21, $0xb8;
	[tilespmem:$0x1C3C8] =	vst v63  }
0x72: {  	_ =	swait.ge [sflag:s30], $0x400  }
0x73: {  	[sflag:s30] =	ssyncset.done $0x0  }
0x74: {  	[sflag:s30] =	ssyncadd.s32 $0xFFFFFC00  }
0x75: {  	_ =	swait.ge [sflag:s30], $0x400  }
0x76: {  	[sflag:s30] =	ssyncset.done $0x0  }
0x77: {  	s2 =	simm.s32 $0x0;
	[sflag:s30] =	ssyncadd.s32 $0xFFFFFC00  }
0x78: {  	v3 =	vld [tilespmem:s2+$0x6D40]  }
0x79: {  	v4 =	vld [tilespmem:s2+$0x6940];
	_ =	sdelay $0x4  }
0x7a: {  	v5 =	vshll.u32 v3, $0xE;
	v6 =	vshrl.u32 v4, $0x12  }
0x7b: {  	v3 =	vshrl.u32 v3, $0x4;
	v4 =	vand.u32 $0x3FFFF, v4;
	v5 =	vand.u32 $0x3C000, v5  }
0x7c: {  	v4 =	vmul.u32 $0x3, v4;
	v3 =	vmul.u32 $0x3, v3;
	v5 =	vor.u32 v6, v5  }
0x7d: {  	s5 =	simm.s32 $0x80;
	s1 =	simm.s32 $0x10;
	v5 =	vmul.u32 $0x3, v5  }
.LBB2_15:
0x7e: {  	p0 =	sne.s32 s5, $0xFC0;
	v6 =	vld [tilespmem:s1+$0x6D40];
	[tilespmem:s2+$0x7140] =	vst v4;
	v7 =	vadd.s32 $0x1, v4;
	v4 =	vadd.s32 $0x2, v4;
	v8 =	vadd.s32 $0x1, v3;
	v9 =	vmovc v3  }
0x7f: {  	v3 =	vld [tilespmem:s1+$0x6940];
	[tilespmem:s2+$0x7D40] =	vst v5;
	v10 =	vadd.s32 $0x1, v5;
	v5 =	vadd.s32 $0x2, v5;
	v11 =	vadd.s32 $0x2, v9  }
0x80: {  	[tilespmem:s2+$0x8540] =	vst v5  }
0x81: {  	[tilespmem:s2+$0x8140] =	vst v10  }
.Ltmp6:
0x82: {  	[tilespmem:s2+$0x7540] =	vst v7;
	(pc) =	sbr.rel @p0 .LBB2_15-.Ltmp6, $4  }
0x83: {  	v5 =	vshll.u32 v6, $0xE;
	v6 =	vshrl.u32 v6, $0x4;
	[tilespmem:s2+$0x7940] =	vst v4  }
0x84: {  	v4 =	vand.u32 $0x3FFFF, v3;
	v3 =	vshrl.u32 v3, $0x12;
	v5 =	vand.u32 $0x3C000, v5;
	[tilespmem:s2+$0x8D40] =	vst v8  }
0x85: {  	v5 =	vor.u32 v3, v5;
	v4 =	vmul.u32 $0x3, v4;
	v3 =	vmul.u32 $0x3, v6;
	[tilespmem:s2+$0x9140] =	vst v11  }
0x86: {  	v5 =	vmul.u32 $0x3, v5;
	[tilespmem:s2+$0x8940] =	vst v9;
	s2 =	smov.u32 s1;
	s1 =	sshra.s32 s5, $0x2;
	s5 =	sadd.s32 $0x40, s5  }
0x87: {  	v6 =	vld [tilespmem:s1+$0x6D40];
	[tilespmem:s2+$0x7140] =	vst v4  }
0x88: {  	v7 =	vld [tilespmem:s1+$0x6940];
	[tilespmem:s2+$0x7D40] =	vst v5  }
0x89: {  	v8 =	vadd.s32 $0x2, v5;
	[tilespmem:s2+$0x8940] =	vst v3  }
0x8a: {  	v5 =	vadd.s32 $0x1, v5;
	[tilespmem:s2+$0x8540] =	vst v8  }
0x8b: {  	v8 =	vadd.s32 $0x1, v4;
	[tilespmem:s2+$0x8140] =	vst v5  }
0x8c: {  	v4 =	vadd.s32 $0x2, v4;
	v5 =	vadd.s32 $0x1, v3;
	[tilespmem:s2+$0x7540] =	vst v8;
	v9 =	vshll.u32 v6, $0xE  }
0x8d: {  	[tilespmem:s2+$0x7940] =	vst v4;
	v4 =	vand.u32 $0x3FFFF, v7;
	v7 =	vshrl.u32 v7, $0x12;
	v9 =	vand.u32 $0x3C000, v9  }
0x8e: {  	v8 =	vadd.s32 $0x2, v3;
	[tilespmem:s2+$0x8D40] =	vst v5;
	v5 =	vor.u32 v7, v9;
	v4 =	vmul.u32 $0x3, v4  }
0x8f: {  	[tilespmem:s2+$0x9140] =	vst v8;
	v5 =	vmul.u32 $0x3, v5  }
0x90: {  	[tilespmem:s1+$0x7140] =	vst v4  }
0x91: {  	[tilespmem:s1+$0x7D40] =	vst v5;
	v3 =	vadd.s32 $0x2, v5  }
0x92: {  	v6 =	vshrl.u32 v6, $0x4;
	v5 =	vadd.s32 $0x1, v5;
	[tilespmem:s1+$0x8540] =	vst v3  }
0x93: {  	v3 =	vmul.u32 $0x3, v6;
	v6 =	vadd.s32 $0x1, v4;
	[tilespmem:s1+$0x8140] =	vst v5  }
0x94: {  	v4 =	vadd.s32 $0x2, v4;
	[tilespmem:s1+$0x7540] =	vst v6  }
0x95: {  	[tilespmem:s1+$0x7940] =	vst v4  }
0x96: {  	v5 =	vadd.s32 $0x1, v3;
	[tilespmem:s1+$0x8940] =	vst v3  }
0x97: {  	v4 =	vadd.s32 $0x2, v3;
	[tilespmem:s1+$0x8D40] =	vst v5  }
0x98: {  	s5 =	simm.s32 $0x9540;
	s2 =	simm.s32 $0x7140;
	[tilespmem:s1+$0x9140] =	vst v4  }
0x99: {  	[tilespmem:s5], [sflag:$0x1] =	stream.indirect.gather [spmem:s4], $0x1, s2, s21, $0xb8;
	[tilespmem:$0x1C3C8] =	vst v63  }
0x9a: {  	s16 =	simm.s32 $0x7540;
	s17 =	simm.s32 $0x9940  }
0x9b: {  	[tilespmem:s17], [sflag:$0x1] =	stream.indirect.gather [spmem:s4], $0x1, s16, s21, $0xb8;
	[tilespmem:$0x1C3C8] =	vst v63  }
0x9c: {  	s19 =	simm.s32 $0x7940;
	s23 =	simm.s32 $0x9D40  }
0x9d: {  	[tilespmem:s23], [sflag:$0x1] =	stream.indirect.gather [spmem:s4], $0x1, s19, s21, $0xb8;
	[tilespmem:$0x1C3C8] =	vst v63  }
0x9e: {  	s25 =	simm.s32 $0x7D40;
	s26 =	simm.s32 $0xA140  }
0x9f: {  	[tilespmem:s26], [sflag:$0x1] =	stream.indirect.gather [spmem:s4], $0x1, s25, s21, $0xb8;
	[tilespmem:$0x1C3C8] =	vst v63  }
0xa0: {  	s2 =	simm.s32 $0x8140;
	s17 =	simm.s32 $0xA540  }
0xa1: {  	[tilespmem:s17], [sflag:$0x1] =	stream.indirect.gather [spmem:s4], $0x1, s2, s21, $0xb8;
	[tilespmem:$0x1C3C8] =	vst v63  }
0xa2: {  	s5 =	simm.s32 $0x8540;
	s16 =	simm.s32 $0xA940  }
0xa3: {  	[tilespmem:s16], [sflag:$0x1] =	stream.indirect.gather [spmem:s4], $0x1, s5, s21, $0xb8;
	[tilespmem:$0x1C3C8] =	vst v63  }
0xa4: {  	s19 =	simm.s32 $0x8940;
	s23 =	simm.s32 $0xAD40  }
0xa5: {  	[tilespmem:s23], [sflag:$0x1] =	stream.indirect.gather [spmem:s4], $0x1, s19, s21, $0xb8;
	[tilespmem:$0x1C3C8] =	vst v63  }
0xa6: {  	s25 =	simm.s32 $0x8D40  }
0xa7: {  	[tilespmem:s28], [sflag:$0x1] =	stream.indirect.gather [spmem:s4], $0x1, s25, s21, $0xb8;
	[tilespmem:$0x1C3C8] =	vst v63  }
0xa8: {  	_ = 	snop  }
0xa9: {  	[tilespmem:s31], [sflag:$0x1] =	stream.indirect.gather [spmem:s4], $0x1, s29, s21, $0xb8;
	[tilespmem:$0x1C3C8] =	vst v63  }
0xaa: {  	s16 =	simm.s32 $0xB940  }
0xab: {  	[tilespmem:s16], [sflag:$0x1] =	stream.indirect.gather [spmem:s3], $0x1, s22, s21, $0xb8;
	[tilespmem:$0x1C3C8] =	vst v63  }
0xac: {  	_ =	swait.ge [sflag:s30], $0x400  }
0xad: {  	[sflag:s30] =	ssyncset.done $0x0  }
0xae: {  	[sflag:s30] =	ssyncadd.s32 $0xFFFFFC00  }
0xaf: {  	_ =	swait.ge [sflag:s30], $0x400  }
0xb0: {  	[sflag:s30] =	ssyncset.done $0x0  }
0xb1: {  	[sflag:s30] =	ssyncadd.s32 $0xFFFFFC00  }
0xb2: {  	_ =	swait.ge [sflag:s30], $0x400  }
0xb3: {  	[sflag:s30] =	ssyncset.done $0x0  }
0xb4: {  	[sflag:s30] =	ssyncadd.s32 $0xFFFFFC00  }
0xb5: {  	_ =	swait.ge [sflag:s30], $0x400  }
0xb6: {  	[sflag:s30] =	ssyncset.done $0x0  }
0xb7: {  	[sflag:s30] =	ssyncadd.s32 $0xFFFFFC00  }
0xb8: {  	_ =	swait.ge [sflag:s30], $0x400  }
0xb9: {  	[sflag:s30] =	ssyncset.done $0x0  }
0xba: {  	[sflag:s30] =	ssyncadd.s32 $0xFFFFFC00  }
0xbb: {  	_ =	swait.ge [sflag:s30], $0x400  }
0xbc: {  	[sflag:s30] =	ssyncset.done $0x0  }
0xbd: {  	[sflag:s30] =	ssyncadd.s32 $0xFFFFFC00  }
0xbe: {  	_ =	swait.ge [sflag:s30], $0x400  }
0xbf: {  	[sflag:s30] =	ssyncset.done $0x0  }
0xc0: {  	[sflag:s30] =	ssyncadd.s32 $0xFFFFFC00  }
0xc1: {  	_ =	swait.ge [sflag:s30], $0x400  }
0xc2: {  	[sflag:s30] =	ssyncset.done $0x0  }
0xc3: {  	[sflag:s30] =	ssyncadd.s32 $0xFFFFFC00  }
0xc4: {  	_ =	swait.ge [sflag:s30], $0x400  }
0xc5: {  	s26 =	simm.s32 $0x0;
	[sflag:s30] =	ssyncset.done $0x0  }
0xc6: {  	v3 =	vor.u32 s26, v1;
	[sflag:s30] =	ssyncadd.s32 $0xFFFFFC00  }
0xc7: {  	v4 =	vmul.u32 $0x3, v3;
	_ =	swait.ge [sflag:s30], $0x400  }
0xc8: {  	[sflag:s30] =	ssyncset.done $0x0  }
0xc9: {  	v5 =	vadd.s32 $0x2, v4;
	[sflag:s30] =	ssyncadd.s32 $0xFFFFFC00  }
0xca: {  	s1 =	sor.u32 s12, s26;
	v7 =	vld [tilespmem:s17+$0xFFFFF800]  }
0xcb: {  	v8 =	vmov s1;
	v6 =	vadd.s32 $0x1, v4;
	v9 =	vld [tilespmem:s16+$0x0]  }
0xcc: {  	v8 =	vshrl.u32 v8, $0x9;
	v12 =	vld [tilespmem:s17+$0xFFFFF000]  }
0xcd: {  	v8 =	vand.u32 $0x1FF, v8;
	v13 =	vld [tilespmem:s17+$0xC00]  }
0xce: {  	v10 =	vand.u32 $0x1FF, v3;
	v11 =	vcvt.s32.f32 v8;
	v8 =	vld.idx.msk [tilespmem:v5+s24+$0x0], $0xffff  }
0xcf: {  	v5 =	vcvt.s32.f32 v10;
	v10 =	vld.idx.msk [tilespmem:v4+s24+$0x0], $0xffff  }
0xd0: {  	v4 =	vmul.f32 $3.913894300e-03, v11;
	v11 =	vld.idx.msk [tilespmem:v6+s24+$0x0], $0xffff  }
0xd1: {  	v15 =	vld [tilespmem:s17+$0xFFFFFC00];
	v5 =	vmul.f32 $3.913894300e-03, v5  }
0xd2: {  	v3 =	vshll.u32 v3, $0x2;
	v14 =	vld [tilespmem:s17+$0x0];
	v17 =	vadd.f32 $-1.000000000e+00, v4  }
0xd3: {  	s1 =	simm.s32 $0x4D40;
	s2 =	simm.s32 $0xA550;
	v16 =	vld [tilespmem:s17+$0xFFFFF400];
	v4 =	vor.u32 $0x3, v3;
	v6 =	vadd.f32 $-1.000000000e+00, v5;
	v5 =	vor.u32 $0x1, v3  }
0xd4: {  	s5 =	simm.s32 $0x10;
	s23 =	simm.s32 $0x20;
	s19 =	simm.s32 $0x4D40;
	vm0 =	vgt.f32 v9, $5.000000000e-01;
	v9 =	vbroadcast v17, $0x0;
	v17 =	vld [tilespmem:s17+$0x800];
	v13 =	vmul.f32 v13, v8  }
.LBB2_17:
0xd5: {  	s1 =	sadd.s32 $0x10, s1  }
0xd6: {  	v18 =	vor.u32 s5, v1;
	v12 =	vmul.f32 v12, v10;
	v19 =	vld [tilespmem:s17+$0x400];
	s16 =	sadd.s32 $0x10, s16;
	s26 =	smov.u32 s23;
	s25 =	sadd.s32 $0x10, s23  }
0xd7: {  	p0 =	sne.s32 s23, $0x3F0;
	v20 =	vmul.u32 $0x3, v18;
	v21 =	vand.u32 $0x1FF, v18;
	v15 =	vmul.f32 v15, v11;
	v22 =	vld [tilespmem:s19+$0x0];
	s19 =	smov.u32 s1  }
0xd8: {  	v21 =	vcvt.s32.f32 v21;
	v14 =	vmul.f32 v14, v11;
	v23 =	vld [tilespmem:s17+$0x1000];
	s17 =	smov.u32 s2  }
0xd9: {  	v24 =	vadd.s32 $0x1, v20;
	v25 =	vadd.s32 $0x2, v20;
	v16 =	vmul.f32 v16, v10  }
0xda: {  	v12 =	vadd.f32 v15, v12;
	v21 =	vmul.f32 $3.913894300e-03, v21;
	v15 =	vmul.f32 v17, v8  }
0xdb: {  	v7 =	vmul.f32 v7, v10;
	v14 =	vadd.f32 v14, v16;
	v10 =	vmul.f32 v19, v11  }
0xdc: {  	v11 =	vadd.f32 v15, v12;
	vm1 =	vgt.s32 v22, $0xFFFFFFFF  }
0xdd: {  	v12 =	vadd.f32 v13, v14;
	v7 =	vadd.f32 v10, v7;
	v8 =	vmul.f32 v23, v8  }
0xde: {  	vm0 =	vmand vm0, vm1;
	v10 =	vnsel vm1, $0x0, v11;
	v11 =	vor.u32 $0x2, v3  }
0xdf: {  	v7 =	vadd.f32 v8, v7;
	v6 =	vadd.f32 v10, v6;
	v8 =	vnsel vm1, $0x0, v12  }
0xe0: {  	s23 =	sor.u32 s12, s5;
	s5 =	smov.u32 s26;
	v8 =	vadd.f32 v8, v9  }
0xe1: {  	v9 =	vmov s23;
	[tilespmem:v3+s0+$0x0] =	vst.idx.msk $0xffff, v6  }
0xe2: {  	v3 =	vshrl.u32 v9, $0x9;
	v6 =	vnsel vm1, $0x0, v7;
	[tilespmem:v5+s0+$0x0] =	vst.idx.msk $0xffff, v8  }
0xe3: {  	v7 =	vsel vm0, $0x3F800000, v2;
	v5 =	vand.u32 $0x1FF, v3;
	[tilespmem:v11+s0+$0x0] =	vst.idx.msk $0xffff, v6  }
0xe4: {  	v3 =	vshll.u32 v18, $0x2;
	[tilespmem:v4+s0+$0x0] =	vst.idx.msk $0xffff, v7  }
0xe5: {  	v6 =	vadd.f32 $-1.000000000e+00, v21;
	v4 =	vcvt.s32.f32 v5;
	v7 =	vld [tilespmem:s2+$0xFFFFF800]  }
0xe6: {  	v9 =	vld [tilespmem:s16+$0x0]  }
0xe7: {  	v12 =	vld [tilespmem:s2+$0xFFFFF000]  }
0xe8: {  	v13 =	vld [tilespmem:s2+$0xC00]  }
0xe9: {  	v8 =	vld.idx.msk [tilespmem:v25+s24+$0x0], $0xffff  }
0xea: {  	v5 =	vor.u32 $0x1, v3;
	v14 =	vmul.f32 $3.913894300e-03, v4;
	v10 =	vld.idx.msk [tilespmem:v20+s24+$0x0], $0xffff  }
.Ltmp7:
0xeb: {  	v4 =	vor.u32 $0x3, v3;
	v11 =	vld.idx.msk [tilespmem:v24+s24+$0x0], $0xffff;
	(pc) =	sbr.rel @p0 .LBB2_17-.Ltmp7, $4  }
0xec: {  	v17 =	vadd.f32 $-1.000000000e+00, v14;
	v15 =	vld [tilespmem:s2+$0xFFFFFC00]  }
0xed: {  	vm0 =	vgt.f32 v9, $5.000000000e-01;
	v14 =	vld [tilespmem:s2+$0x0]  }
0xee: {  	v9 =	vbroadcast v17, $0x0;
	v16 =	vld [tilespmem:s2+$0xFFFFF400]  }
0xef: {  	s23 =	smov.u32 s25;
	v13 =	vmul.f32 v13, v8;
	s2 =	sadd.s32 $0x10, s2;
	v17 =	vld [tilespmem:s17+$0x800]  }
0xf0: {  	_ = 	snop  }
0xf1: {  	v18 =	vld [tilespmem:s17+$0x400]  }
0xf2: {  	v12 =	vmul.f32 v12, v10;
	v19 =	vld [tilespmem:s19+$0x0];
	v15 =	vmul.f32 v15, v11  }
0xf3: {  	v20 =	vld [tilespmem:s17+$0x1000];
	v14 =	vmul.f32 v14, v11;
	v16 =	vmul.f32 v16, v10  }
0xf4: {  	v12 =	vadd.f32 v15, v12;
	v32 =	vmul.f32 v17, v8  }
0xf5: {  	v14 =	vadd.f32 v14, v16  }
0xf6: {  	v7 =	vmul.f32 v7, v10;
	v33 =	vmul.f32 v18, v11;
	v34 =	vadd.f32 v32, v12  }
0xf7: {  	v38 =	vor.u32 $0x2, v3;
	vm1 =	vgt.s32 v19, $0xFFFFFFFF;
	v35 =	vadd.f32 v13, v14  }
0xf8: {  	v36 =	vmul.f32 v20, v8;
	v7 =	vadd.f32 v33, v7;
	v37 =	vnsel vm1, $0x0, v34  }
0xf9: {  	v40 =	vor.u32 s5, v1;
	v6 =	vadd.f32 v37, v6;
	v39 =	vnsel vm1, $0x0, v35  }
0xfa: {  	v42 =	vmul.u32 $0x3, v40;
	v7 =	vadd.f32 v36, v7;
	v41 =	vadd.f32 v39, v9  }
0xfb: {  	[tilespmem:v3+s0+$0x0] =	vst.idx.msk $0xffff, v6  }
0xfc: {  	v43 =	vadd.s32 $0x2, v42;
	vm0 =	vmand vm0, vm1;
	v3 =	vnsel vm1, $0x0, v7;
	[tilespmem:v5+s0+$0x0] =	vst.idx.msk $0xffff, v41  }
0xfd: {  	v44 =	vsel vm0, $0x3F800000, v2;
	[tilespmem:v38+s0+$0x0] =	vst.idx.msk $0xffff, v3  }
0xfe: {  	[tilespmem:v4+s0+$0x0] =	vst.idx.msk $0xffff, v44  }
0xff: {  	v4 =	vld [tilespmem:s2+$0xFFFFF800]  }
0x100: {  	v3 =	vadd.s32 $0x1, v42;
	v6 =	vld [tilespmem:s2+$0xFFFFF000]  }
0x101: {  	v5 =	vld.idx.msk [tilespmem:v43+s24+$0x0], $0xffff  }
0x102: {  	v8 =	vld.idx.msk [tilespmem:v42+s24+$0x0], $0xffff  }
0x103: {  	s17 =	sor.u32 s12, s5;
	v47 =	vld [tilespmem:s2+$0xFFFFFC00]  }
0x104: {  	v46 =	vmov s17;
	v49 =	vld [tilespmem:s2+$0x0]  }
0x105: {  	v9 =	vshrl.u32 v46, $0x9;
	v3 =	vld.idx.msk [tilespmem:v3+s24+$0x0], $0xffff  }
0x106: {  	v48 =	vand.u32 $0x1FF, v40;
	v9 =	vand.u32 $0x1FF, v9;
	v50 =	vld [tilespmem:s2+$0xFFFFF400]  }
0x107: {  	v11 =	vcvt.s32.f32 v48;
	v9 =	vcvt.s32.f32 v9;
	v51 =	vld [tilespmem:s2+$0x800]  }
0x108: {  	v45 =	vld [tilespmem:s2+$0xC00]  }
0x109: {  	s1 =	sadd.s32 $0x10, s1;
	v12 =	vshll.u32 v40, $0x2;
	v11 =	vmul.f32 $3.913894300e-03, v11;
	v9 =	vmul.f32 $3.913894300e-03, v9;
	v52 =	vld [tilespmem:s2+$0x400]  }
0x10a: {  	v57 =	vor.u32 $0x1, v12;
	v53 =	vld [tilespmem:s1+$0x0];
	v6 =	vmul.f32 v6, v8;
	v10 =	vmul.f32 v47, v3  }
0x10b: {  	v60 =	vor.u32 $0x2, v12;
	v54 =	vld [tilespmem:s2+$0x1000];
	v14 =	vmul.f32 v50, v8;
	v13 =	vmul.f32 v49, v3  }
0x10c: {  	v11 =	vadd.f32 $-1.000000000e+00, v11;
	v55 =	vmul.f32 v51, v5;
	v6 =	vadd.f32 v10, v6  }
0x10d: {  	s19 =	sadd.s32 $0x10, s16;
	v9 =	vadd.f32 $-1.000000000e+00, v9;
	v7 =	vmul.f32 v45, v5;
	v13 =	vadd.f32 v13, v14  }
0x10e: {  	v56 =	vld [tilespmem:s19+$0x0];
	v4 =	vmul.f32 v4, v8;
	v3 =	vmul.f32 v52, v3;
	v6 =	vadd.f32 v55, v6  }
0x10f: {  	v9 =	vbroadcast v9, $0x0;
	vm14 =	vgt.s32 v53, $0xFFFFFFFF;
	v7 =	vadd.f32 v7, v13  }
0x110: {  	v58 =	vmul.f32 v54, v5;
	v3 =	vadd.f32 v3, v4;
	v59 =	vnsel vm14, $0x0, v6  }
0x111: {  	v61 =	vor.u32 $0x3, v12;
	v7 =	vnsel vm14, $0x0, v7;
	v5 =	vadd.f32 v59, v11  }
0x112: {  	v3 =	vadd.f32 v58, v3;
	v62 =	vadd.f32 v7, v9  }
0x113: {  	vm15 =	vgt.f32 v56, $5.000000000e-01;
	[tilespmem:v12+s0+$0x0] =	vst.idx.msk $0xffff, v5  }
0x114: {  	s11 =	sadd.s32 $0x1, s11;
	vm1 =	vmand vm15, vm14;
	v3 =	vnsel vm14, $0x0, v3;
	[tilespmem:v57+s0+$0x0] =	vst.idx.msk $0xffff, v62  }
0x115: {  	s23 =	sshrl.u32 s12, $0x1;
	s25 =	rddreg [dreg:$0x3];
	p0 =	sne.s32 s11, $0x20;
	v63 =	vsel vm1, $0x3F800000, v2;
	[tilespmem:v60+s0+$0x0] =	vst.idx.msk $0xffff, v3  }
.Ltmp8:
0x116: {  	s26 =	simm.s32 $0x0;
	s1 =	sadd.s32 s25, s23;
	[tilespmem:v61+s0+$0x0] =	vst.idx.msk $0xffff, v63;
	(pc) =	sbr.rel @p0 .LBB2_12-.Ltmp8, $4  }
0x117: {  	[hbm4b:s1+s26] =	stream.linear.scatter [tilespmem:s0], [sflag:$0x2], $0x1000, $0x38;
	[tilespmem:$0x1C3C8] =	vst v63  }
0x118: {  	_ =	swait.ge [sflag:s18], $0x1000  }
0x119: {  	[sflag:s18] =	ssyncset.done $0x0  }
0x11a: {  	[sflag:s18] =	ssyncadd.s32 $0xFFFFF000  }
0x11b: {  	s2 =	rddreg [dreg:$0xb]  }
0x11c: {  	s1 =	rddreg [dreg:$0x9];
	s2 =	sadd.s32 $0x1, s2  }
0x11d: {  	p0 =	sne.s32 s2, s1  }
.Ltmp9:
0x11e: {  	_ = 	snop;
	(pc) =	sbr.rel @p0 .LBB2_1-.Ltmp9, $2  }
0x11f: {  	_ =	sdelay $0x2  }
0x120: {  	s12 =	simm.s32 $0x24A0  }
0x121: {  	_ =	sfence.sel $0x180000  }
0x122: {  	[bflag:$0x0] =	sbarrier.arrive $0xFFFF  }
0x123: {  	_ =	strace $0x90000047  }
0x124: {  	s0 =	stileid.u32;
	[bflag:$0x2] =	sbarrier.arrive $0xFFFF  }
0x125: {  	p0 =	sne.s32 s0, $0x0;
	s0 =	rddreg [dreg:$0x6]  }
0x126: {  	s0 =	sadd.s32 @!p0 $0x100000, s0  }
0x127: {  	[sflag:s0] =	ssyncadd.tile.s32 @!p0 $0x1;
	_ =	shalt  }
.Lfunc_end2:
_tile_overlayer_lowered:
.L_overlay_start_2:
0x128: {  	(tag) =	ssettag $0x2  }
0x129: {  	s0 =	rddreg [dreg:$0x0];
	s2 =	stileid.u32  }
0x12a: {  	s1 =	rddreg [dreg:$0x1];
	p0 =	sne.s32 s2, $0x0  }
0x12b: {  	s3 =	rddreg [dreg:$0x2];
	[bflag:$0x3] =	sbarrier.arrive $0xFFFF;
	s2 =	simm.s32 @!p0 $0x1C02  }
0x12c: {  	[timem:s3], [sflag:s2] =	dma.local @!p0 [hbm:s0], s1  }
0x12d: {  	s0 =	simm.s32 @!p0 $0x2  }
0x12e: {  	_ =	swait.ge @!p0 [sflag:s0], s1  }
0x12f: {  	s1 =	ssub.s32 @!p0 $0x0, s1;
	[sflag:s0] =	ssyncset.done @!p0 $0x0  }
0x130: {  	[sflag:s0] =	ssyncadd.s32 @!p0 s1  }
0x131: {  	[bflag:$0x3] =	sbarrier.arrive $0xFFFF  }
0x132: {  	_ =	shalt  }

</sc_bundles>
